<compile_context>
chip_gen: v7x
topology: tpu7x:2x2x1
jax: 0.10.2.dev20260603
libtpu: 0.0.44.dev20260713+nightly
codegen_flags: <defaults>
</compile_context>

<pallas_src>
import functools

import jax
import jax.numpy as jnp
from jax import lax
from jax.experimental import pallas as pl
from jax.experimental.pallas import tpu as pltpu
from jax.experimental.pallas import tpu_sc as plsc

D_IN = 1024
D_H = 512
N_EXP = 64
N_TOK = 4096
TILE = 128
TOK = 1024
N_TILES = N_TOK // TOK


def _stage1_body(x_ref, we_ref, be_ref, wg_ref, wr_ref, br_ref, wc_ref, bc_ref,
                 h_ref, rc_ref, g_ref, idx_ref, rank_ref, cnt_ref, offs_ref,
                 acc):
    t = pl.program_id(0)

    @pl.when(t == 0)
    def _():
        acc[...] = jnp.zeros_like(acc)

    x = x_ref[...]
    h = jnp.maximum(
        jnp.dot(x, we_ref[...], preferred_element_type=jnp.float32)
        + be_ref[...], 0.0)
    h_ref[...] = h

    logits = jnp.dot(h, wg_ref[...], preferred_element_type=jnp.float32)
    mx = jnp.max(logits, axis=1, keepdims=True)
    ssum = jnp.sum(jnp.exp(logits - mx), axis=1, keepdims=True)
    gate_val = 1.0 / ssum
    idx = jnp.argmax(logits, axis=1).astype(jnp.int32)

    cols = lax.broadcasted_iota(jnp.int32, (TOK, N_EXP), 1)
    m = (cols == idx[:, None]).astype(jnp.float32)
    rows_i = lax.broadcasted_iota(jnp.int32, (TOK, TOK), 0)
    cols_i = lax.broadcasted_iota(jnp.int32, (TOK, TOK), 1)
    ltri = (rows_i > cols_i).astype(jnp.float32)
    rank_tile = jnp.dot(ltri, m, preferred_element_type=jnp.float32)
    rank = jnp.sum(m * (rank_tile + acc[...]), axis=1, keepdims=True)
    rank_ref[...] = rank.astype(jnp.int32)
    idx_ref[...] = idx[:, None]
    acc[...] = acc[...] + jnp.sum(m, axis=0, keepdims=True)

    res = jnp.dot(h, wr_ref[...], preferred_element_type=jnp.float32) + br_ref[...]
    cl = jnp.dot(h, wc_ref[...], preferred_element_type=jnp.float32) + bc_ref[...]
    cmx = jnp.max(cl, axis=1, keepdims=True)
    ce = jnp.exp(cl - cmx)
    cs = jnp.sum(ce, axis=1, keepdims=True)
    rc_ref[...] = res * (ce[:, 1:2] / cs)
    g_ref[...] = gate_val * (ce[:, 0:1] / cs)

    @pl.when(t == N_TILES - 1)
    def _():
        cnt = acc[...]
        ea = lax.broadcasted_iota(jnp.int32, (N_EXP, N_EXP), 0)
        eb = lax.broadcasted_iota(jnp.int32, (N_EXP, N_EXP), 1)
        ustri = (ea < eb).astype(jnp.float32)
        offs = jnp.dot(cnt, ustri, preferred_element_type=jnp.float32)
        cnt_ref[...] = cnt.astype(jnp.int32)
        offs_ref[...] = offs.astype(jnp.int32)


def _stage1(x, w_enc, b_enc, w_gate, w_res, b_res, w_coef, b_coef):
    out_shapes = (
        jax.ShapeDtypeStruct((N_TOK, D_H), jnp.float32),
        jax.ShapeDtypeStruct((N_TOK, D_H), jnp.float32),
        jax.ShapeDtypeStruct((N_TOK, 1), jnp.float32),
        jax.ShapeDtypeStruct((N_TOK, 1), jnp.int32),
        jax.ShapeDtypeStruct((N_TOK, 1), jnp.int32),
        jax.ShapeDtypeStruct((1, N_EXP), jnp.int32),
        jax.ShapeDtypeStruct((1, N_EXP), jnp.int32),
    )
    full = lambda shape: pl.BlockSpec(shape, lambda t: (0, 0))
    tok = lambda w: pl.BlockSpec((TOK, w), lambda t: (t, 0))
    return pl.pallas_call(
        _stage1_body,
        grid=(N_TILES,),
        in_specs=[
            tok(D_IN),
            full((D_IN, D_H)),
            full((1, D_H)),
            full((D_H, N_EXP)),
            full((D_H, D_H)),
            full((1, D_H)),
            full((D_H, 2)),
            full((1, 2)),
        ],
        out_specs=[
            tok(D_H), tok(D_H), tok(1), tok(1), tok(1),
            full((1, N_EXP)), full((1, N_EXP)),
        ],
        out_shape=out_shapes,
        scratch_shapes=[pltpu.VMEM((1, N_EXP), jnp.float32)],
    )(x, w_enc, b_enc, w_gate, w_res, b_res, w_coef, b_coef)


_NC = 2
_NS = 16
_NW = _NC * _NS
_CHUNK = N_TOK // _NW
_LANES = 16


def _sc_dispatch(h, idx, rank, offs):
    mesh = plsc.VectorSubcoreMesh(core_axis_name="c", subcore_axis_name="s")

    @functools.partial(
        pl.kernel, mesh=mesh,
        out_type=[
            jax.ShapeDtypeStruct((N_TOK, D_H), jnp.float32),
            jax.ShapeDtypeStruct((N_TOK,), jnp.int32),
        ],
        scratch_types=[
            pltpu.VMEM((_CHUNK,), jnp.int32),
            pltpu.VMEM((_CHUNK,), jnp.int32),
            pltpu.VMEM((_CHUNK,), jnp.int32),
            pltpu.VMEM((_CHUNK,), jnp.int32),
            pltpu.VMEM((_CHUNK, D_H), jnp.float32),
            pltpu.SemaphoreType.DMA,
            pltpu.SemaphoreType.DMA,
            pltpu.SemaphoreType.DMA,
        ],
    )
    def k(h_hbm, idx_hbm, rank_hbm, offs_hbm, hs_hbm, pos_hbm,
          idx_v, rank_v, offsg_v, pos_v, rows_v, sem_rows, sem_meta, sem_idx):
        wid = lax.axis_index("s") * _NC + lax.axis_index("c")
        base = wid * _CHUNK
        cp_rows = pltpu.async_copy(h_hbm.at[pl.ds(base, _CHUNK)], rows_v,
                                   sem_rows)
        cp_idx = pltpu.async_copy(idx_hbm.at[pl.ds(base, _CHUNK)], idx_v,
                                  sem_idx)
        cp_rank = pltpu.async_copy(rank_hbm.at[pl.ds(base, _CHUNK)], rank_v,
                                   sem_meta)
        cp_idx.wait()
        cp_off = pltpu.async_copy(offs_hbm.at[idx_v], offsg_v, sem_idx)
        cp_rank.wait()
        cp_off.wait()
        for i in range(_CHUNK // _LANES):
            sl = pl.ds(i * _LANES, _LANES)
            pos_v[sl] = offsg_v[sl] + rank_v[sl]
        cp_rows.wait()
        cp_sc = pltpu.async_copy(rows_v, hs_hbm.at[pos_v], sem_rows)
        pltpu.sync_copy(pos_v, pos_hbm.at[pl.ds(base, _CHUNK)])
        cp_sc.wait()

    return k(h, idx, rank, offs)


def _sc_combine(ys, pos):
    mesh = plsc.VectorSubcoreMesh(core_axis_name="c", subcore_axis_name="s")

    @functools.partial(
        pl.kernel, mesh=mesh,
        out_type=jax.ShapeDtypeStruct((N_TOK, D_H), jnp.float32),
        scratch_types=[
            pltpu.VMEM((_CHUNK,), jnp.int32),
            pltpu.VMEM((_CHUNK, D_H), jnp.float32),
            pltpu.SemaphoreType.DMA,
        ],
    )
    def k(ys_hbm, pos_hbm, out_hbm, pos_v, rows_v, sem):
        wid = lax.axis_index("s") * _NC + lax.axis_index("c")
        base = wid * _CHUNK
        pltpu.sync_copy(pos_hbm.at[pl.ds(base, _CHUNK)], pos_v)
        pltpu.async_copy(ys_hbm.at[pos_v], rows_v, sem).wait()
        pltpu.sync_copy(rows_v, out_hbm.at[pl.ds(base, _CHUNK)])

    return k(ys, pos)


E_PER = 8


def _stage2_body(offs_ref, cnt_ref, hs_ref, w_ref, b_ref, out_ref):
    grp = pl.program_id(0)
    for k in range(E_PER):
        e = grp * E_PER + k
        start = offs_ref[e]
        cnt = cnt_ref[e]
        s0 = (start // 8) * 8
        n = (cnt + (start - s0) + TILE - 1) // TILE
        w = w_ref[k].astype(jnp.bfloat16)
        b = b_ref[k]

        def body(j, _, start=start, cnt=cnt, s0=s0, w=w, b=b):
            s = jnp.minimum(s0 + j * TILE, N_TOK - TILE)
            s = pl.multiple_of(s, 8)
            rows = hs_ref[pl.ds(s, TILE), :].astype(jnp.bfloat16)
            y = jnp.dot(rows, w, preferred_element_type=jnp.float32) + b
            rid = s + lax.broadcasted_iota(jnp.int32, (TILE, 1), 0)
            msk = (rid >= start) & (rid < start + cnt)
            cur = out_ref[pl.ds(s, TILE), :]
            out_ref[pl.ds(s, TILE), :] = jnp.where(msk, y, cur)
            return 0

        lax.fori_loop(0, n, body, 0)


def _stage2(offs, cnt, hs, w_experts, b_experts):
    grid_spec = pltpu.PrefetchScalarGridSpec(
        num_scalar_prefetch=2,
        grid=(N_EXP // E_PER,),
        in_specs=[
            pl.BlockSpec((N_TOK, D_H), lambda g, o, c: (0, 0)),
            pl.BlockSpec((E_PER, D_H, D_H), lambda g, o, c: (g, 0, 0)),
            pl.BlockSpec((E_PER, 1, D_H), lambda g, o, c: (g, 0, 0)),
        ],
        out_specs=pl.BlockSpec((N_TOK, D_H), lambda g, o, c: (0, 0)),
    )
    return pl.pallas_call(
        _stage2_body,
        grid_spec=grid_spec,
        out_shape=jax.ShapeDtypeStruct((N_TOK, D_H), jnp.float32),
    )(offs, cnt, hs, w_experts, b_experts)


def _stage3_body(my_ref, g_ref, rc_ref, wd_ref, bd_ref, out_ref):
    mixed = my_ref[...] * g_ref[...] + rc_ref[...]
    out_ref[...] = (
        jnp.dot(mixed, wd_ref[...], preferred_element_type=jnp.float32)
        + bd_ref[...])


def _stage3(my, g, rc, w_dec, b_dec):
    full = lambda shape: pl.BlockSpec(shape, lambda t: (0, 0))
    tok = lambda w: pl.BlockSpec((TOK, w), lambda t: (t, 0))
    return pl.pallas_call(
        _stage3_body,
        grid=(N_TILES,),
        in_specs=[tok(D_H), tok(1), tok(D_H), full((D_H, D_IN)), full((1, D_IN))],
        out_specs=tok(D_IN),
        out_shape=jax.ShapeDtypeStruct((N_TOK, D_IN), jnp.float32),
    )(my, g, rc, w_dec, b_dec)


def kernel(x, W_enc, b_enc, W_gate, W_experts, b_experts, W_res, b_res,
           W_coef, b_coef, W_dec, b_dec):
    h, rc, g, idx, rank, cnt, offs = _stage1(
        x, W_enc, b_enc.reshape(1, D_H), W_gate, W_res, b_res.reshape(1, D_H),
        W_coef, b_coef.reshape(1, 2))
    hs, pos = _sc_dispatch(h, idx.reshape(N_TOK), rank.reshape(N_TOK),
                           offs.reshape(N_EXP))
    ys = _stage2(offs.reshape(N_EXP), cnt.reshape(N_EXP), hs,
                 W_experts, b_experts.reshape(N_EXP, 1, D_H))
    my = _sc_combine(ys, pos)
    return _stage3(my, g, rc, W_dec, b_dec.reshape(1, D_IN))

# --- scband reference (transcript-rebuilt; emitter-appended) ---
"""Pipeline reference for scband-mo-eautoencoder-24876450578754 (READ-ONLY COPY).

The authoritative reference and input builder live on the scoring server;
editing this copy changes nothing except your own understanding.
"""

import jax, jax.numpy as jnp
import numpy as np

INPUT_DIM = 1024
HIDDEN_DIM = 512
NUM_EXPERTS = 64
TOKENS = 4096


def setup_inputs(seed: int = 0) -> dict:
    key = jax.random.key(seed)
    ks = jax.random.split(key, 8)
    def init(k, shape, fan_in):
        return jax.random.normal(k, shape, dtype=jnp.float32) * (1.0 / np.sqrt(fan_in))
    return {
        "x": jax.random.normal(ks[0], (TOKENS, INPUT_DIM), dtype=jnp.float32),
        "W_enc": init(ks[1], (INPUT_DIM, HIDDEN_DIM), INPUT_DIM),
        "b_enc": jnp.zeros((HIDDEN_DIM,), jnp.float32),
        "W_gate": init(ks[2], (HIDDEN_DIM, NUM_EXPERTS), HIDDEN_DIM),
        "W_experts": init(ks[3], (NUM_EXPERTS, HIDDEN_DIM, HIDDEN_DIM), HIDDEN_DIM),
        "b_experts": jnp.zeros((NUM_EXPERTS, HIDDEN_DIM), jnp.float32),
        "W_res": init(ks[4], (HIDDEN_DIM, HIDDEN_DIM), HIDDEN_DIM),
        "b_res": jnp.zeros((HIDDEN_DIM,), jnp.float32),
        "W_coef": init(ks[5], (HIDDEN_DIM, 2), HIDDEN_DIM),
        "b_coef": jnp.zeros((2,), jnp.float32),
        "W_dec": init(ks[6], (HIDDEN_DIM, INPUT_DIM), HIDDEN_DIM),
        "b_dec": jnp.zeros((INPUT_DIM,), jnp.float32),
    }


def reference(x, W_enc, b_enc, W_gate, W_experts, b_experts, W_res, b_res, W_coef, b_coef, W_dec, b_dec):
    # encoder
    h = jax.nn.relu(x @ W_enc + b_enc)
    # top-1 gating (deepspeed-style top1gating, no capacity dropping in reference)
    logits = h @ W_gate
    gates = jax.nn.softmax(logits, axis=-1)
    idx = jnp.argmax(logits, axis=-1)
    mask = jax.nn.one_hot(idx, NUM_EXPERTS, dtype=h.dtype)
    gate_val = jnp.sum(gates * mask, axis=-1, keepdims=True)
    # expert computation: each expert is Linear(hidden, hidden); combine via one-hot dispatch mask
    moe_y = jnp.zeros_like(h)
    for e in range(NUM_EXPERTS):
        y_e = h @ W_experts[e] + b_experts[e]
        moe_y = moe_y + mask[:, e:e + 1] * y_e
    moe_out = gate_val * moe_y
    # use_residual=True: residual MLP + learned 2-way coefficient mixing
    res = h @ W_res + b_res
    coef = jax.nn.softmax(h @ W_coef + b_coef, axis=-1)
    out = moe_out * coef[:, 0:1] + res * coef[:, 1:2]
    # decoder
    return out @ W_dec + b_dec

if __name__ == "__main__":
    import jax
    _d = setup_inputs()
    print(jax.jit(kernel)(*tuple(_d.values())))

</pallas_src>

<mosaic_0001>
#map = affine_map<(d0, d1) -> (0, 0)>
#map1 = affine_map<(d0, d1) -> (0)>
module attributes {stable_mosaic.version = 14 : i64} {
  func.func @k(%arg0: i32, %arg1: i32, %arg2: memref<4096x512xf32, #tpu.memory_space<hbm>>, %arg3: memref<4096xi32, #tpu.memory_space<hbm>>, %arg4: memref<4096xi32, #tpu.memory_space<hbm>>, %arg5: memref<64xi32, #tpu.memory_space<hbm>>, %arg6: memref<4096x512xf32, #tpu.memory_space<hbm>>, %arg7: memref<4096xi32, #tpu.memory_space<hbm>>, %arg8: memref<128xi32, #tpu.memory_space<vmem>>, %arg9: memref<128xi32, #tpu.memory_space<vmem>>, %arg10: memref<128xi32, #tpu.memory_space<vmem>>, %arg11: memref<128xi32, #tpu.memory_space<vmem>>, %arg12: memref<128x512xf32, #tpu.memory_space<vmem>>, %arg13: memref<!tpu.dma_semaphore, #tpu.memory_space<semaphore_mem>>, %arg14: memref<!tpu.dma_semaphore, #tpu.memory_space<semaphore_mem>>, %arg15: memref<!tpu.dma_semaphore, #tpu.memory_space<semaphore_mem>>) attributes {dimension_semantics = [#tpu.dimension_semantics<core_parallel>, #tpu.dimension_semantics<subcore_parallel>], iteration_bounds = array<i64: 2, 16>, scalar_prefetch = 0 : i64, scratch_operands = 8 : i64, tpu.core_type = #tpu.core_type<sc_vector_subcore>, window_params = [{transform_indices = #map}, {transform_indices = #map1}, {transform_indices = #map1}, {transform_indices = #map1}, {transform_indices = #map}, {transform_indices = #map1}]} {
    %mul3A = arith.constant 2 : i32
    %mul3A_0 = arith.muli %arg1, %mul3A : i32
    %add3A = arith.addi %mul3A_0, %arg0 : i32
    %mul3A_1 = arith.constant 128 : i32
    %mul3A_2 = arith.muli %add3A, %mul3A_1 : i32
    %dma_start3A = arith.constant 0 : i32
    %dma_start3A_3 = tpu.memref_slice %arg2[%mul3A_2, %dma_start3A] : memref<4096x512xf32, #tpu.memory_space<hbm>> -> memref<128x512xf32, #tpu.memory_space<hbm>>
    %dma_start3A_4 = arith.constant 0 : i32
    %dma_start3A_5 = tpu.memref_slice %arg2[%mul3A_2, %dma_start3A_4] : memref<4096x512xf32, #tpu.memory_space<hbm>> -> memref<128x512xf32, #tpu.memory_space<hbm>>
    tpu.enqueue_dma source(%dma_start3A_5 : memref<128x512xf32, #tpu.memory_space<hbm>>) target(%arg12 : memref<128x512xf32, #tpu.memory_space<vmem>>) target_semaphore(%arg13 : memref<!tpu.dma_semaphore, #tpu.memory_space<semaphore_mem>>)
    %dma_start3A_6 = tpu.memref_slice %arg3[%mul3A_2] : memref<4096xi32, #tpu.memory_space<hbm>> -> memref<128xi32, #tpu.memory_space<hbm>>
    %dma_start3A_7 = tpu.memref_slice %arg3[%mul3A_2] : memref<4096xi32, #tpu.memory_space<hbm>> -> memref<128xi32, #tpu.memory_space<hbm>>
    tpu.enqueue_dma source(%dma_start3A_7 : memref<128xi32, #tpu.memory_space<hbm>>) target(%arg8 : memref<128xi32, #tpu.memory_space<vmem>>) target_semaphore(%arg15 : memref<!tpu.dma_semaphore, #tpu.memory_space<semaphore_mem>>)
    %dma_start3A_8 = tpu.memref_slice %arg4[%mul3A_2] : memref<4096xi32, #tpu.memory_space<hbm>> -> memref<128xi32, #tpu.memory_space<hbm>>
    %dma_start3A_9 = tpu.memref_slice %arg4[%mul3A_2] : memref<4096xi32, #tpu.memory_space<hbm>> -> memref<128xi32, #tpu.memory_space<hbm>>
    tpu.enqueue_dma source(%dma_start3A_9 : memref<128xi32, #tpu.memory_space<hbm>>) target(%arg9 : memref<128xi32, #tpu.memory_space<vmem>>) target_semaphore(%arg14 : memref<!tpu.dma_semaphore, #tpu.memory_space<semaphore_mem>>)
    %dma_wait3A = tpu.memref_slice %arg3[%mul3A_2] : memref<4096xi32, #tpu.memory_space<hbm>> -> memref<128xi32, #tpu.memory_space<hbm>>
    %dma_wait3A_10 = tpu.memref_slice %arg3[%mul3A_2] : memref<4096xi32, #tpu.memory_space<hbm>> -> memref<128xi32, #tpu.memory_space<hbm>>
    tpu.wait_dma2 semaphore(%arg15 : memref<!tpu.dma_semaphore, #tpu.memory_space<semaphore_mem>>) src(%dma_wait3A_10 : memref<128xi32, #tpu.memory_space<hbm>>) dst(%arg8 : memref<128xi32, #tpu.memory_space<vmem>>)
    %dma_start3A_11 = arith.constant 0 : i32
    %dma_start3A_12 = tpu.memref_slice %arg5[%dma_start3A_11] : memref<64xi32, #tpu.memory_space<hbm>> -> memref<64xi32, #tpu.memory_space<hbm>>
    tpu.enqueue_indirect_dma source(%dma_start3A_12 : memref<64xi32, #tpu.memory_space<hbm>>) target(%arg10 : memref<128xi32, #tpu.memory_space<vmem>>) offsets(%arg8 : memref<128xi32, #tpu.memory_space<vmem>>) semaphore(%arg15 : memref<!tpu.dma_semaphore, #tpu.memory_space<semaphore_mem>>)
    %dma_wait3A_13 = tpu.memref_slice %arg4[%mul3A_2] : memref<4096xi32, #tpu.memory_space<hbm>> -> memref<128xi32, #tpu.memory_space<hbm>>
    %dma_wait3A_14 = tpu.memref_slice %arg4[%mul3A_2] : memref<4096xi32, #tpu.memory_space<hbm>> -> memref<128xi32, #tpu.memory_space<hbm>>
    tpu.wait_dma2 semaphore(%arg14 : memref<!tpu.dma_semaphore, #tpu.memory_space<semaphore_mem>>) src(%dma_wait3A_14 : memref<128xi32, #tpu.memory_space<hbm>>) dst(%arg9 : memref<128xi32, #tpu.memory_space<vmem>>)
    %dma_wait3A_15 = arith.constant 0 : i32
    %dma_wait3A_16 = tpu.memref_slice %arg5[%dma_wait3A_15] : memref<64xi32, #tpu.memory_space<hbm>> -> memref<64xi32, #tpu.memory_space<hbm>>
    tpu.wait_indirect_dma semaphore(%arg15 : memref<!tpu.dma_semaphore, #tpu.memory_space<semaphore_mem>>) src(%dma_wait3A_16 : memref<64xi32, #tpu.memory_space<hbm>>) dst(%arg10 : memref<128xi32, #tpu.memory_space<vmem>>)
    %get3A = arith.constant 0 : index
    %get3A_17 = tpu.vector_load %arg10[%get3A] {strides = array<i32>} : memref<128xi32, #tpu.memory_space<vmem>>, vector<16xi32>,
    %get3A_18 = vector.shape_cast %get3A_17 : vector<16xi32> to vector<16xi32>
    %get3A_19 = arith.constant 0 : index
    %get3A_20 = tpu.vector_load %arg9[%get3A_19] {strides = array<i32>} : memref<128xi32, #tpu.memory_space<vmem>>, vector<16xi32>,
    %get3A_21 = vector.shape_cast %get3A_20 : vector<16xi32> to vector<16xi32>
    %add3A_22 = arith.addi %get3A_18, %get3A_21 : vector<16xi32>
    %swap3A = arith.constant 0 : index
    %swap3A_23 = tpu.vector_load %arg11[%swap3A] {strides = array<i32>} : memref<128xi32, #tpu.memory_space<vmem>>, vector<16xi32>,
    %swap3A_24 = vector.shape_cast %swap3A_23 : vector<16xi32> to vector<16xi32>
    %swap3A_25 = vector.shape_cast %add3A_22 : vector<16xi32> to vector<16xi32>
    tpu.vector_store %arg11[%swap3A], %swap3A_25 {strides = array<i32>} : memref<128xi32, #tpu.memory_space<vmem>>, vector<16xi32>,
    %get3A_26 = arith.constant 16 : index
    %get3A_27 = tpu.vector_load %arg10[%get3A_26] {strides = array<i32>} : memref<128xi32, #tpu.memory_space<vmem>>, vector<16xi32>,
    %get3A_28 = vector.shape_cast %get3A_27 : vector<16xi32> to vector<16xi32>
    %get3A_29 = arith.constant 16 : index
    %get3A_30 = tpu.vector_load %arg9[%get3A_29] {strides = array<i32>} : memref<128xi32, #tpu.memory_space<vmem>>, vector<16xi32>,
    %get3A_31 = vector.shape_cast %get3A_30 : vector<16xi32> to vector<16xi32>
    %add3A_32 = arith.addi %get3A_28, %get3A_31 : vector<16xi32>
    %swap3A_33 = arith.constant 16 : index
    %swap3A_34 = tpu.vector_load %arg11[%swap3A_33] {strides = array<i32>} : memref<128xi32, #tpu.memory_space<vmem>>, vector<16xi32>,
    %swap3A_35 = vector.shape_cast %swap3A_34 : vector<16xi32> to vector<16xi32>
    %swap3A_36 = vector.shape_cast %add3A_32 : vector<16xi32> to vector<16xi32>
    tpu.vector_store %arg11[%swap3A_33], %swap3A_36 {strides = array<i32>} : memref<128xi32, #tpu.memory_space<vmem>>, vector<16xi32>,
    %get3A_37 = arith.constant 32 : index
    %get3A_38 = tpu.vector_load %arg10[%get3A_37] {strides = array<i32>} : memref<128xi32, #tpu.memory_space<vmem>>, vector<16xi32>,
    %get3A_39 = vector.shape_cast %get3A_38 : vector<16xi32> to vector<16xi32>
    %get3A_40 = arith.constant 32 : index
    %get3A_41 = tpu.vector_load %arg9[%get3A_40] {strides = array<i32>} : memref<128xi32, #tpu.memory_space<vmem>>, vector<16xi32>,
    %get3A_42 = vector.shape_cast %get3A_41 : vector<16xi32> to vector<16xi32>
    %add3A_43 = arith.addi %get3A_39, %get3A_42 : vector<16xi32>
    %swap3A_44 = arith.constant 32 : index
    %swap3A_45 = tpu.vector_load %arg11[%swap3A_44] {strides = array<i32>} : memref<128xi32, #tpu.memory_space<vmem>>, vector<16xi32>,
    %swap3A_46 = vector.shape_cast %swap3A_45 : vector<16xi32> to vector<16xi32>
    %swap3A_47 = vector.shape_cast %add3A_43 : vector<16xi32> to vector<16xi32>
    tpu.vector_store %arg11[%swap3A_44], %swap3A_47 {strides = array<i32>} : memref<128xi32, #tpu.memory_space<vmem>>, vector<16xi32>,
    %get3A_48 = arith.constant 48 : index
    %get3A_49 = tpu.vector_load %arg10[%get3A_48] {strides = array<i32>} : memref<128xi32, #tpu.memory_space<vmem>>, vector<16xi32>,
    %get3A_50 = vector.shape_cast %get3A_49 : vector<16xi32> to vector<16xi32>
    %get3A_51 = arith.constant 48 : index
    %get3A_52 = tpu.vector_load %arg9[%get3A_51] {strides = array<i32>} : memref<128xi32, #tpu.memory_space<vmem>>, vector<16xi32>,
    %get3A_53 = vector.shape_cast %get3A_52 : vector<16xi32> to vector<16xi32>
    %add3A_54 = arith.addi %get3A_50, %get3A_53 : vector<16xi32>
    %swap3A_55 = arith.constant 48 : index
    %swap3A_56 = tpu.vector_load %arg11[%swap3A_55] {strides = array<i32>} : memref<128xi32, #tpu.memory_space<vmem>>, vector<16xi32>,
    %swap3A_57 = vector.shape_cast %swap3A_56 : vector<16xi32> to vector<16xi32>
    %swap3A_58 = vector.shape_cast %add3A_54 : vector<16xi32> to vector<16xi32>
    tpu.vector_store %arg11[%swap3A_55], %swap3A_58 {strides = array<i32>} : memref<128xi32, #tpu.memory_space<vmem>>, vector<16xi32>,
    %get3A_59 = arith.constant 64 : index
    %get3A_60 = tpu.vector_load %arg10[%get3A_59] {strides = array<i32>} : memref<128xi32, #tpu.memory_space<vmem>>, vector<16xi32>,
    %get3A_61 = vector.shape_cast %get3A_60 : vector<16xi32> to vector<16xi32>
    %get3A_62 = arith.constant 64 : index
    %get3A_63 = tpu.vector_load %arg9[%get3A_62] {strides = array<i32>} : memref<128xi32, #tpu.memory_space<vmem>>, vector<16xi32>,
    %get3A_64 = vector.shape_cast %get3A_63 : vector<16xi32> to vector<16xi32>
    %add3A_65 = arith.addi %get3A_61, %get3A_64 : vector<16xi32>
    %swap3A_66 = arith.constant 64 : index
    %swap3A_67 = tpu.vector_load %arg11[%swap3A_66] {strides = array<i32>} : memref<128xi32, #tpu.memory_space<vmem>>, vector<16xi32>,
    %swap3A_68 = vector.shape_cast %swap3A_67 : vector<16xi32> to vector<16xi32>
    %swap3A_69 = vector.shape_cast %add3A_65 : vector<16xi32> to vector<16xi32>
    tpu.vector_store %arg11[%swap3A_66], %swap3A_69 {strides = array<i32>} : memref<128xi32, #tpu.memory_space<vmem>>, vector<16xi32>,
    %get3A_70 = arith.constant 80 : index
    %get3A_71 = tpu.vector_load %arg10[%get3A_70] {strides = array<i32>} : memref<128xi32, #tpu.memory_space<vmem>>, vector<16xi32>,
    %get3A_72 = vector.shape_cast %get3A_71 : vector<16xi32> to vector<16xi32>
    %get3A_73 = arith.constant 80 : index
    %get3A_74 = tpu.vector_load %arg9[%get3A_73] {strides = array<i32>} : memref<128xi32, #tpu.memory_space<vmem>>, vector<16xi32>,
    %get3A_75 = vector.shape_cast %get3A_74 : vector<16xi32> to vector<16xi32>
    %add3A_76 = arith.addi %get3A_72, %get3A_75 : vector<16xi32>
    %swap3A_77 = arith.constant 80 : index
    %swap3A_78 = tpu.vector_load %arg11[%swap3A_77] {strides = array<i32>} : memref<128xi32, #tpu.memory_space<vmem>>, vector<16xi32>,
    %swap3A_79 = vector.shape_cast %swap3A_78 : vector<16xi32> to vector<16xi32>
    %swap3A_80 = vector.shape_cast %add3A_76 : vector<16xi32> to vector<16xi32>
    tpu.vector_store %arg11[%swap3A_77], %swap3A_80 {strides = array<i32>} : memref<128xi32, #tpu.memory_space<vmem>>, vector<16xi32>,
    %get3A_81 = arith.constant 96 : index
    %get3A_82 = tpu.vector_load %arg10[%get3A_81] {strides = array<i32>} : memref<128xi32, #tpu.memory_space<vmem>>, vector<16xi32>,
    %get3A_83 = vector.shape_cast %get3A_82 : vector<16xi32> to vector<16xi32>
    %get3A_84 = arith.constant 96 : index
    %get3A_85 = tpu.vector_load %arg9[%get3A_84] {strides = array<i32>} : memref<128xi32, #tpu.memory_space<vmem>>, vector<16xi32>,
    %get3A_86 = vector.shape_cast %get3A_85 : vector<16xi32> to vector<16xi32>
    %add3A_87 = arith.addi %get3A_83, %get3A_86 : vector<16xi32>
    %swap3A_88 = arith.constant 96 : index
    %swap3A_89 = tpu.vector_load %arg11[%swap3A_88] {strides = array<i32>} : memref<128xi32, #tpu.memory_space<vmem>>, vector<16xi32>,
    %swap3A_90 = vector.shape_cast %swap3A_89 : vector<16xi32> to vector<16xi32>
    %swap3A_91 = vector.shape_cast %add3A_87 : vector<16xi32> to vector<16xi32>
    tpu.vector_store %arg11[%swap3A_88], %swap3A_91 {strides = array<i32>} : memref<128xi32, #tpu.memory_space<vmem>>, vector<16xi32>,
    %get3A_92 = arith.constant 112 : index
    %get3A_93 = tpu.vector_load %arg10[%get3A_92] {strides = array<i32>} : memref<128xi32, #tpu.memory_space<vmem>>, vector<16xi32>,
    %get3A_94 = vector.shape_cast %get3A_93 : vector<16xi32> to vector<16xi32>
    %get3A_95 = arith.constant 112 : index
    %get3A_96 = tpu.vector_load %arg9[%get3A_95] {strides = array<i32>} : memref<128xi32, #tpu.memory_space<vmem>>, vector<16xi32>,
    %get3A_97 = vector.shape_cast %get3A_96 : vector<16xi32> to vector<16xi32>
    %add3A_98 = arith.addi %get3A_94, %get3A_97 : vector<16xi32>
    %swap3A_99 = arith.constant 112 : index
    %swap3A_100 = tpu.vector_load %arg11[%swap3A_99] {strides = array<i32>} : memref<128xi32, #tpu.memory_space<vmem>>, vector<16xi32>,
    %swap3A_101 = vector.shape_cast %swap3A_100 : vector<16xi32> to vector<16xi32>
    %swap3A_102 = vector.shape_cast %add3A_98 : vector<16xi32> to vector<16xi32>
    tpu.vector_store %arg11[%swap3A_99], %swap3A_102 {strides = array<i32>} : memref<128xi32, #tpu.memory_space<vmem>>, vector<16xi32>,
    %dma_wait3A_103 = arith.constant 0 : i32
    %dma_wait3A_104 = tpu.memref_slice %arg2[%mul3A_2, %dma_wait3A_103] : memref<4096x512xf32, #tpu.memory_space<hbm>> -> memref<128x512xf32, #tpu.memory_space<hbm>>
    %dma_wait3A_105 = arith.constant 0 : i32
    %dma_wait3A_106 = tpu.memref_slice %arg2[%mul3A_2, %dma_wait3A_105] : memref<4096x512xf32, #tpu.memory_space<hbm>> -> memref<128x512xf32, #tpu.memory_space<hbm>>
    tpu.wait_dma2 semaphore(%arg13 : memref<!tpu.dma_semaphore, #tpu.memory_space<semaphore_mem>>) src(%dma_wait3A_106 : memref<128x512xf32, #tpu.memory_space<hbm>>) dst(%arg12 : memref<128x512xf32, #tpu.memory_space<vmem>>)
    %dma_start3A_107 = arith.constant 0 : i32
    %dma_start3A_108 = arith.constant 0 : i32
    %dma_start3A_109 = tpu.memref_slice %arg6[%dma_start3A_107, %dma_start3A_108] : memref<4096x512xf32, #tpu.memory_space<hbm>> -> memref<4096x512xf32, #tpu.memory_space<hbm>>
    tpu.enqueue_indirect_dma source(%arg12 : memref<128x512xf32, #tpu.memory_space<vmem>>) target(%dma_start3A_109 : memref<4096x512xf32, #tpu.memory_space<hbm>>) offsets(%arg11 : memref<128xi32, #tpu.memory_space<vmem>>) semaphore(%arg13 : memref<!tpu.dma_semaphore, #tpu.memory_space<semaphore_mem>>)
    "tpu.region"() ({
      %run_scoped3A = tpu.sem_alloc : memref<!tpu.dma_semaphore, #tpu.memory_space<semaphore_mem>>
      %dma_start3A_113 = tpu.memref_slice %arg7[%mul3A_2] : memref<4096xi32, #tpu.memory_space<hbm>> -> memref<128xi32, #tpu.memory_space<hbm>>
      %dma_start3A_114 = tpu.memref_slice %arg7[%mul3A_2] : memref<4096xi32, #tpu.memory_space<hbm>> -> memref<128xi32, #tpu.memory_space<hbm>>
      tpu.enqueue_dma source(%arg11 : memref<128xi32, #tpu.memory_space<vmem>>) target(%dma_start3A_114 : memref<128xi32, #tpu.memory_space<hbm>>) target_semaphore(%run_scoped3A : memref<!tpu.dma_semaphore, #tpu.memory_space<semaphore_mem>>)
      %dma_wait3A_115 = tpu.memref_slice %arg7[%mul3A_2] : memref<4096xi32, #tpu.memory_space<hbm>> -> memref<128xi32, #tpu.memory_space<hbm>>
      %dma_wait3A_116 = tpu.memref_slice %arg7[%mul3A_2] : memref<4096xi32, #tpu.memory_space<hbm>> -> memref<128xi32, #tpu.memory_space<hbm>>
      tpu.wait_dma2 semaphore(%run_scoped3A : memref<!tpu.dma_semaphore, #tpu.memory_space<semaphore_mem>>) src(%arg11 : memref<128xi32, #tpu.memory_space<vmem>>) dst(%dma_wait3A_116 : memref<128xi32, #tpu.memory_space<hbm>>)
      tpu.yield
    }) : () -> ()
    %dma_wait3A_110 = arith.constant 0 : i32
    %dma_wait3A_111 = arith.constant 0 : i32
    %dma_wait3A_112 = tpu.memref_slice %arg6[%dma_wait3A_110, %dma_wait3A_111] : memref<4096x512xf32, #tpu.memory_space<hbm>> -> memref<4096x512xf32, #tpu.memory_space<hbm>>
    tpu.wait_indirect_dma semaphore(%arg13 : memref<!tpu.dma_semaphore, #tpu.memory_space<semaphore_mem>>) src(%arg12 : memref<128x512xf32, #tpu.memory_space<vmem>>) dst(%dma_wait3A_112 : memref<4096x512xf32, #tpu.memory_space<hbm>>)
    return
  }
}

#map = affine_map<(d0, d1) -> (0, 0)>
#map1 = affine_map<(d0, d1) -> (0)>
module attributes {stable_mosaic.version = 14 : i64} {
  func.func @k(%arg0: i32, %arg1: i32, %arg2: memref<4096x512xf32, #tpu.memory_space<hbm>>, %arg3: memref<4096xi32, #tpu.memory_space<hbm>>, %arg4: memref<4096x512xf32, #tpu.memory_space<hbm>>, %arg5: memref<128xi32, #tpu.memory_space<vmem>>, %arg6: memref<128x512xf32, #tpu.memory_space<vmem>>, %arg7: memref<!tpu.dma_semaphore, #tpu.memory_space<semaphore_mem>>) attributes {dimension_semantics = [#tpu.dimension_semantics<core_parallel>, #tpu.dimension_semantics<subcore_parallel>], iteration_bounds = array<i64: 2, 16>, scalar_prefetch = 0 : i64, scratch_operands = 3 : i64, tpu.core_type = #tpu.core_type<sc_vector_subcore>, window_params = [{transform_indices = #map}, {transform_indices = #map1}, {transform_indices = #map}]} {
    %mul3A = arith.constant 2 : i32
    %mul3A_0 = arith.muli %arg1, %mul3A : i32
    %add3A = arith.addi %mul3A_0, %arg0 : i32
    %mul3A_1 = arith.constant 128 : i32
    %mul3A_2 = arith.muli %add3A, %mul3A_1 : i32
    "tpu.region"() ({
      %run_scoped3A = tpu.sem_alloc : memref<!tpu.dma_semaphore, #tpu.memory_space<semaphore_mem>>
      %dma_start3A_7 = tpu.memref_slice %arg3[%mul3A_2] : memref<4096xi32, #tpu.memory_space<hbm>> -> memref<128xi32, #tpu.memory_space<hbm>>
      %dma_start3A_8 = tpu.memref_slice %arg3[%mul3A_2] : memref<4096xi32, #tpu.memory_space<hbm>> -> memref<128xi32, #tpu.memory_space<hbm>>
      tpu.enqueue_dma source(%dma_start3A_8 : memref<128xi32, #tpu.memory_space<hbm>>) target(%arg5 : memref<128xi32, #tpu.memory_space<vmem>>) target_semaphore(%run_scoped3A : memref<!tpu.dma_semaphore, #tpu.memory_space<semaphore_mem>>)
      %dma_wait3A_9 = tpu.memref_slice %arg3[%mul3A_2] : memref<4096xi32, #tpu.memory_space<hbm>> -> memref<128xi32, #tpu.memory_space<hbm>>
      %dma_wait3A_10 = tpu.memref_slice %arg3[%mul3A_2] : memref<4096xi32, #tpu.memory_space<hbm>> -> memref<128xi32, #tpu.memory_space<hbm>>
      tpu.wait_dma2 semaphore(%run_scoped3A : memref<!tpu.dma_semaphore, #tpu.memory_space<semaphore_mem>>) src(%dma_wait3A_10 : memref<128xi32, #tpu.memory_space<hbm>>) dst(%arg5 : memref<128xi32, #tpu.memory_space<vmem>>)
      tpu.yield
    }) : () -> ()
    %dma_start3A = arith.constant 0 : i32
    %dma_start3A_3 = arith.constant 0 : i32
    %dma_start3A_4 = tpu.memref_slice %arg2[%dma_start3A, %dma_start3A_3] : memref<4096x512xf32, #tpu.memory_space<hbm>> -> memref<4096x512xf32, #tpu.memory_space<hbm>>
    tpu.enqueue_indirect_dma source(%dma_start3A_4 : memref<4096x512xf32, #tpu.memory_space<hbm>>) target(%arg6 : memref<128x512xf32, #tpu.memory_space<vmem>>) offsets(%arg5 : memref<128xi32, #tpu.memory_space<vmem>>) semaphore(%arg7 : memref<!tpu.dma_semaphore, #tpu.memory_space<semaphore_mem>>)
    %dma_wait3A = arith.constant 0 : i32
    %dma_wait3A_5 = arith.constant 0 : i32
    %dma_wait3A_6 = tpu.memref_slice %arg2[%dma_wait3A, %dma_wait3A_5] : memref<4096x512xf32, #tpu.memory_space<hbm>> -> memref<4096x512xf32, #tpu.memory_space<hbm>>
    tpu.wait_indirect_dma semaphore(%arg7 : memref<!tpu.dma_semaphore, #tpu.memory_space<semaphore_mem>>) src(%dma_wait3A_6 : memref<4096x512xf32, #tpu.memory_space<hbm>>) dst(%arg6 : memref<128x512xf32, #tpu.memory_space<vmem>>)
    "tpu.region"() ({
      %run_scoped3A = tpu.sem_alloc : memref<!tpu.dma_semaphore, #tpu.memory_space<semaphore_mem>>
      %dma_start3A_7 = arith.constant 0 : i32
      %dma_start3A_8 = tpu.memref_slice %arg4[%mul3A_2, %dma_start3A_7] : memref<4096x512xf32, #tpu.memory_space<hbm>> -> memref<128x512xf32, #tpu.memory_space<hbm>>
      %dma_start3A_9 = arith.constant 0 : i32
      %dma_start3A_10 = tpu.memref_slice %arg4[%mul3A_2, %dma_start3A_9] : memref<4096x512xf32, #tpu.memory_space<hbm>> -> memref<128x512xf32, #tpu.memory_space<hbm>>
      tpu.enqueue_dma source(%arg6 : memref<128x512xf32, #tpu.memory_space<vmem>>) target(%dma_start3A_10 : memref<128x512xf32, #tpu.memory_space<hbm>>) target_semaphore(%run_scoped3A : memref<!tpu.dma_semaphore, #tpu.memory_space<semaphore_mem>>)
      %dma_wait3A_11 = arith.constant 0 : i32
      %dma_wait3A_12 = tpu.memref_slice %arg4[%mul3A_2, %dma_wait3A_11] : memref<4096x512xf32, #tpu.memory_space<hbm>> -> memref<128x512xf32, #tpu.memory_space<hbm>>
      %dma_wait3A_13 = arith.constant 0 : i32
      %dma_wait3A_14 = tpu.memref_slice %arg4[%mul3A_2, %dma_wait3A_13] : memref<4096x512xf32, #tpu.memory_space<hbm>> -> memref<128x512xf32, #tpu.memory_space<hbm>>
      tpu.wait_dma2 semaphore(%run_scoped3A : memref<!tpu.dma_semaphore, #tpu.memory_space<semaphore_mem>>) src(%arg6 : memref<128x512xf32, #tpu.memory_space<vmem>>) dst(%dma_wait3A_14 : memref<128x512xf32, #tpu.memory_space<hbm>>)
      tpu.yield
    }) : () -> ()
    return
  }
}

module attributes {stable_mosaic.version = 14 : i64} {
  func.func @_stage1_body(%arg0: i32, %arg1: memref<1024x1024xf32, #tpu.memory_space<vmem>>, %arg2: memref<1024x512xf32, #tpu.memory_space<vmem>>, %arg3: memref<1x512xf32, #tpu.memory_space<vmem>>, %arg4: memref<512x64xf32, #tpu.memory_space<vmem>>, %arg5: memref<512x512xf32, #tpu.memory_space<vmem>>, %arg6: memref<1x512xf32, #tpu.memory_space<vmem>>, %arg7: memref<512x2xf32, #tpu.memory_space<vmem>>, %arg8: memref<1x2xf32, #tpu.memory_space<vmem>>, %arg9: memref<1024x512xf32, #tpu.memory_space<vmem>>, %arg10: memref<1024x512xf32, #tpu.memory_space<vmem>>, %arg11: memref<1024x1xf32, #tpu.memory_space<vmem>>, %arg12: memref<1024x1xi32, #tpu.memory_space<vmem>>, %arg13: memref<1024x1xi32, #tpu.memory_space<vmem>>, %arg14: memref<1x64xi32, #tpu.memory_space<vmem>>, %arg15: memref<1x64xi32, #tpu.memory_space<vmem>>, %arg16: memref<1x64xf32, #tpu.memory_space<vmem>>) attributes {dimension_semantics = [#tpu.dimension_semantics<arbitrary>], iteration_bounds = array<i64: 4>, scalar_prefetch = 0 : i64, scratch_operands = 1 : i64, tpu.core_type = #tpu.core_type<tc>, window_params = [{transform_indices = @transform_0, window_bounds = array<i64: 1024, 1024>}, {pipeline_mode = #tpu.pipeline_mode<synchronous>, transform_indices = @transform_1, window_bounds = array<i64: 1024, 512>}, {pipeline_mode = #tpu.pipeline_mode<synchronous>, transform_indices = @transform_2, window_bounds = array<i64: 1, 512>}, {pipeline_mode = #tpu.pipeline_mode<synchronous>, transform_indices = @transform_3, window_bounds = array<i64: 512, 64>}, {pipeline_mode = #tpu.pipeline_mode<synchronous>, transform_indices = @transform_4, window_bounds = array<i64: 512, 512>}, {pipeline_mode = #tpu.pipeline_mode<synchronous>, transform_indices = @transform_5, window_bounds = array<i64: 1, 512>}, {pipeline_mode = #tpu.pipeline_mode<synchronous>, transform_indices = @transform_6, window_bounds = array<i64: 512, 2>}, {pipeline_mode = #tpu.pipeline_mode<synchronous>, transform_indices = @transform_7, window_bounds = array<i64: 1, 2>}, {transform_indices = @transform_8, window_bounds = array<i64: 1024, 512>}, {transform_indices = @transform_9, window_bounds = array<i64: 1024, 512>}, {transform_indices = @transform_10, window_bounds = array<i64: 1024, 1>}, {transform_indices = @transform_11, window_bounds = array<i64: 1024, 1>}, {transform_indices = @transform_12, window_bounds = array<i64: 1024, 1>}, {pipeline_mode = #tpu.pipeline_mode<synchronous>, transform_indices = @transform_13, window_bounds = array<i64: 1, 64>}, {pipeline_mode = #tpu.pipeline_mode<synchronous>, transform_indices = @transform_14, window_bounds = array<i64: 1, 64>}]} {
    %eq3A = arith.constant 0 : i32
    %eq3A_0 = arith.cmpi eq, %arg0, %eq3A : i32
    %convert_element_type3A = arith.extui %eq3A_0 : i1 to i32
    %cond3A = arith.constant 0 : i32
    %cond3A_1 = arith.cmpi ne, %convert_element_type3A, %cond3A : i32
    scf.if %cond3A_1 {
      %broadcast_in_dim3A_110 = arith.constant 0.000000e+00 : f32
      %broadcast_in_dim3A_111 = vector.broadcast %broadcast_in_dim3A_110 : f32 to vector<1x64xf32>
      %swap3A_112 = arith.constant 0 : index
      %swap3A_113 = arith.constant 0 : index
      %swap3A_114 = vector.load %arg16[%swap3A_112, %swap3A_113] : memref<1x64xf32, #tpu.memory_space<vmem>>, vector<1x64xf32>
      tpu.vector_store %arg16[%swap3A_112, %swap3A_113], %broadcast_in_dim3A_111 {strides = array<i32>} : memref<1x64xf32, #tpu.memory_space<vmem>>, vector<1x64xf32>,
    } else {
    }
    %get3A = arith.constant 0 : index
    %get3A_2 = arith.constant 0 : index
    %get3A_3 = vector.load %arg1[%get3A, %get3A_2] : memref<1024x1024xf32, #tpu.memory_space<vmem>>, vector<1024x1024xf32>
    %get3A_4 = arith.constant 0 : index
    %get3A_5 = arith.constant 0 : index
    %get3A_6 = vector.load %arg2[%get3A_4, %get3A_5] : memref<1024x512xf32, #tpu.memory_space<vmem>>, vector<1024x512xf32>
    %dot_general3A = arith.constant dense<0.000000e+00> : vector<1024x512xf32>
    %dot_general3A_7 = tpu.matmul %get3A_3, %get3A_6, %dot_general3A {dimension_numbers = #tpu.dot_dimension_numbers<[1], [0], [0], [1], [0, 0, 1, 1], [], []>, transpose_lhs_hint = false} : vector<1024x1024xf32>, vector<1024x512xf32>, vector<1024x512xf32> -> vector<1024x512xf32>
    %get3A_8 = arith.constant 0 : index
    %get3A_9 = arith.constant 0 : index
    %get3A_10 = vector.load %arg3[%get3A_8, %get3A_9] : memref<1x512xf32, #tpu.memory_space<vmem>>, vector<1x512xf32>
    %add3A = vector.broadcast %get3A_10 : vector<1x512xf32> to vector<1024x512xf32>
    %add3A_11 = arith.addf %dot_general3A_7, %add3A : vector<1024x512xf32>
    %max3A = arith.constant 0.000000e+00 : f32
    %max3A_12 = vector.broadcast %max3A : f32 to vector<1024x512xf32>
    %max3A_13 = arith.maximumf %add3A_11, %max3A_12 : vector<1024x512xf32>
    %swap3A = arith.constant 0 : index
    %swap3A_14 = arith.constant 0 : index
    %swap3A_15 = vector.load %arg9[%swap3A, %swap3A_14] : memref<1024x512xf32, #tpu.memory_space<vmem>>, vector<1024x512xf32>
    tpu.vector_store %arg9[%swap3A, %swap3A_14], %max3A_13 {strides = array<i32>} : memref<1024x512xf32, #tpu.memory_space<vmem>>, vector<1024x512xf32>,
    %get3A_16 = arith.constant 0 : index
    %get3A_17 = arith.constant 0 : index
    %get3A_18 = vector.load %arg4[%get3A_16, %get3A_17] : memref<512x64xf32, #tpu.memory_space<vmem>>, vector<512x64xf32>
    %dot_general3A_19 = arith.constant dense<0.000000e+00> : vector<1024x64xf32>
    %dot_general3A_20 = tpu.matmul %max3A_13, %get3A_18, %dot_general3A_19 {dimension_numbers = #tpu.dot_dimension_numbers<[1], [0], [0], [1], [0, 0, 1, 1], [], []>, transpose_lhs_hint = false} : vector<1024x512xf32>, vector<512x64xf32>, vector<1024x64xf32> -> vector<1024x64xf32>
    %reduce_max3A = arith.constant dense<0xFF800000> : vector<1024xf32>
    %reduce_max3A_21 = vector.multi_reduction <maximumf>, %dot_general3A_20, %reduce_max3A [1] : vector<1024x64xf32> to vector<1024xf32>
    %broadcast_in_dim3A = vector.shape_cast %reduce_max3A_21 : vector<1024xf32> to vector<1024x1xf32>
    %sub3A = vector.broadcast %broadcast_in_dim3A : vector<1024x1xf32> to vector<1024x64xf32>
    %sub3A_22 = arith.subf %dot_general3A_20, %sub3A : vector<1024x64xf32>
    %exp3A = math.exp %sub3A_22 : vector<1024x64xf32>
    %reduce_sum3A = arith.constant dense<0.000000e+00> : vector<1024xf32>
    %reduce_sum3A_23 = vector.multi_reduction <add>, %exp3A, %reduce_sum3A [1] : vector<1024x64xf32> to vector<1024xf32>
    %broadcast_in_dim3A_24 = vector.shape_cast %reduce_sum3A_23 : vector<1024xf32> to vector<1024x1xf32>
    %div3A = arith.constant 1.000000e+00 : f32
    %div3A_25 = vector.broadcast %div3A : f32 to vector<1024x1xf32>
    %div3A_26 = arith.divf %div3A_25, %broadcast_in_dim3A_24 : vector<1024x1xf32>
    %argmax3A = tpu.reduce_index %dot_general3A_20 {axis = 1 : i32, kind = #tpu.reduction_kind<arg_max>} : vector<1024x64xf32> -> vector<1024xi32>
    %iota3A = tpu.iota {dimensions = array<i32: 1>} : vector<1024x64xi32>
    %broadcast_in_dim3A_27 = vector.shape_cast %argmax3A : vector<1024xi32> to vector<1024x1xi32>
    %eq3A_28 = vector.broadcast %broadcast_in_dim3A_27 : vector<1024x1xi32> to vector<1024x64xi32>
    %eq3A_29 = arith.cmpi eq, %iota3A, %eq3A_28 : vector<1024x64xi32>
    %convert_element_type3A_30 = arith.extui %eq3A_29 : vector<1024x64xi1> to vector<1024x64xi32>
    %convert_element_type3A_31 = arith.sitofp %convert_element_type3A_30 : vector<1024x64xi32> to vector<1024x64xf32>
    %iota3A_32 = tpu.iota {dimensions = array<i32: 0>} : vector<1024x1024xi32>
    %iota3A_33 = tpu.iota {dimensions = array<i32: 1>} : vector<1024x1024xi32>
    %gt3A = arith.cmpi sgt, %iota3A_32, %iota3A_33 : vector<1024x1024xi32>
    %convert_element_type3A_34 = arith.extui %gt3A : vector<1024x1024xi1> to vector<1024x1024xi32>
    %convert_element_type3A_35 = arith.sitofp %convert_element_type3A_34 : vector<1024x1024xi32> to vector<1024x1024xf32>
    %dot_general3A_36 = arith.constant dense<0.000000e+00> : vector<1024x64xf32>
    %dot_general3A_37 = tpu.matmul %convert_element_type3A_35, %convert_element_type3A_31, %dot_general3A_36 {dimension_numbers = #tpu.dot_dimension_numbers<[1], [0], [0], [1], [0, 0, 1, 1], [], []>, transpose_lhs_hint = false} : vector<1024x1024xf32>, vector<1024x64xf32>, vector<1024x64xf32> -> vector<1024x64xf32>
    %get3A_38 = arith.constant 0 : index
    %get3A_39 = arith.constant 0 : index
    %get3A_40 = vector.load %arg16[%get3A_38, %get3A_39] : memref<1x64xf32, #tpu.memory_space<vmem>>, vector<1x64xf32>
    %add3A_41 = vector.broadcast %get3A_40 : vector<1x64xf32> to vector<1024x64xf32>
    %add3A_42 = arith.addf %dot_general3A_37, %add3A_41 : vector<1024x64xf32>
    %mul3A = arith.mulf %convert_element_type3A_31, %add3A_42 : vector<1024x64xf32>
    %reduce_sum3A_43 = arith.constant dense<0.000000e+00> : vector<1024xf32>
    %reduce_sum3A_44 = vector.multi_reduction <add>, %mul3A, %reduce_sum3A_43 [1] : vector<1024x64xf32> to vector<1024xf32>
    %broadcast_in_dim3A_45 = vector.shape_cast %reduce_sum3A_44 : vector<1024xf32> to vector<1024x1xf32>
    %convert_element_type3A_46 = arith.fptosi %broadcast_in_dim3A_45 : vector<1024x1xf32> to vector<1024x1xi32>
    %swap3A_47 = arith.constant 0 : index
    %swap3A_48 = arith.constant 0 : index
    %swap3A_49 = vector.load %arg13[%swap3A_47, %swap3A_48] : memref<1024x1xi32, #tpu.memory_space<vmem>>, vector<1024x1xi32>
    tpu.vector_store %arg13[%swap3A_47, %swap3A_48], %convert_element_type3A_46 {strides = array<i32>} : memref<1024x1xi32, #tpu.memory_space<vmem>>, vector<1024x1xi32>,
    %broadcast_in_dim3A_50 = vector.shape_cast %argmax3A : vector<1024xi32> to vector<1024x1xi32>
    %swap3A_51 = arith.constant 0 : index
    %swap3A_52 = arith.constant 0 : index
    %swap3A_53 = vector.load %arg12[%swap3A_51, %swap3A_52] : memref<1024x1xi32, #tpu.memory_space<vmem>>, vector<1024x1xi32>
    tpu.vector_store %arg12[%swap3A_51, %swap3A_52], %broadcast_in_dim3A_50 {strides = array<i32>} : memref<1024x1xi32, #tpu.memory_space<vmem>>, vector<1024x1xi32>,
    %get3A_54 = arith.constant 0 : index
    %get3A_55 = arith.constant 0 : index
    %get3A_56 = vector.load %arg16[%get3A_54, %get3A_55] : memref<1x64xf32, #tpu.memory_space<vmem>>, vector<1x64xf32>
    %reduce_sum3A_57 = arith.constant dense<0.000000e+00> : vector<64xf32>
    %reduce_sum3A_58 = vector.multi_reduction <add>, %convert_element_type3A_31, %reduce_sum3A_57 [0] : vector<1024x64xf32> to vector<64xf32>
    %broadcast_in_dim3A_59 = vector.shape_cast %reduce_sum3A_58 : vector<64xf32> to vector<1x64xf32>
    %add3A_60 = arith.addf %get3A_56, %broadcast_in_dim3A_59 : vector<1x64xf32>
    %swap3A_61 = arith.constant 0 : index
    %swap3A_62 = arith.constant 0 : index
    %swap3A_63 = vector.load %arg16[%swap3A_61, %swap3A_62] : memref<1x64xf32, #tpu.memory_space<vmem>>, vector<1x64xf32>
    tpu.vector_store %arg16[%swap3A_61, %swap3A_62], %add3A_60 {strides = array<i32>} : memref<1x64xf32, #tpu.memory_space<vmem>>, vector<1x64xf32>,
    %get3A_64 = arith.constant 0 : index
    %get3A_65 = arith.constant 0 : index
    %get3A_66 = vector.load %arg5[%get3A_64, %get3A_65] : memref<512x512xf32, #tpu.memory_space<vmem>>, vector<512x512xf32>
    %dot_general3A_67 = arith.constant dense<0.000000e+00> : vector<1024x512xf32>
    %dot_general3A_68 = tpu.matmul %max3A_13, %get3A_66, %dot_general3A_67 {dimension_numbers = #tpu.dot_dimension_numbers<[1], [0], [0], [1], [0, 0, 1, 1], [], []>, transpose_lhs_hint = false} : vector<1024x512xf32>, vector<512x512xf32>, vector<1024x512xf32> -> vector<1024x512xf32>
    %get3A_69 = arith.constant 0 : index
    %get3A_70 = arith.constant 0 : index
    %get3A_71 = vector.load %arg6[%get3A_69, %get3A_70] : memref<1x512xf32, #tpu.memory_space<vmem>>, vector<1x512xf32>
    %add3A_72 = vector.broadcast %get3A_71 : vector<1x512xf32> to vector<1024x512xf32>
    %add3A_73 = arith.addf %dot_general3A_68, %add3A_72 : vector<1024x512xf32>
    %get3A_74 = arith.constant 0 : index
    %get3A_75 = arith.constant 0 : index
    %get3A_76 = vector.load %arg7[%get3A_74, %get3A_75] : memref<512x2xf32, #tpu.memory_space<vmem>>, vector<512x2xf32>
    %dot_general3A_77 = arith.constant dense<0.000000e+00> : vector<1024x2xf32>
    %dot_general3A_78 = tpu.matmul %max3A_13, %get3A_76, %dot_general3A_77 {dimension_numbers = #tpu.dot_dimension_numbers<[1], [0], [0], [1], [0, 0, 1, 1], [], []>, transpose_lhs_hint = false} : vector<1024x512xf32>, vector<512x2xf32>, vector<1024x2xf32> -> vector<1024x2xf32>
    %get3A_79 = arith.constant 0 : index
    %get3A_80 = arith.constant 0 : index
    %get3A_81 = vector.load %arg8[%get3A_79, %get3A_80] : memref<1x2xf32, #tpu.memory_space<vmem>>, vector<1x2xf32>
    %add3A_82 = vector.broadcast %get3A_81 : vector<1x2xf32> to vector<1024x2xf32>
    %add3A_83 = arith.addf %dot_general3A_78, %add3A_82 : vector<1024x2xf32>
    %reduce_max3A_84 = arith.constant dense<0xFF800000> : vector<1024xf32>
    %reduce_max3A_85 = vector.multi_reduction <maximumf>, %add3A_83, %reduce_max3A_84 [1] : vector<1024x2xf32> to vector<1024xf32>
    %broadcast_in_dim3A_86 = vector.shape_cast %reduce_max3A_85 : vector<1024xf32> to vector<1024x1xf32>
    %sub3A_87 = vector.broadcast %broadcast_in_dim3A_86 : vector<1024x1xf32> to vector<1024x2xf32>
    %sub3A_88 = arith.subf %add3A_83, %sub3A_87 : vector<1024x2xf32>
    %exp3A_89 = math.exp %sub3A_88 : vector<1024x2xf32>
    %reduce_sum3A_90 = arith.constant dense<0.000000e+00> : vector<1024xf32>
    %reduce_sum3A_91 = vector.multi_reduction <add>, %exp3A_89, %reduce_sum3A_90 [1] : vector<1024x2xf32> to vector<1024xf32>
    %broadcast_in_dim3A_92 = vector.shape_cast %reduce_sum3A_91 : vector<1024xf32> to vector<1024x1xf32>
    %slice3A = vector.extract_strided_slice %exp3A_89 {offsets = [0, 1], sizes = [1024, 1], strides = [1, 1]} : vector<1024x2xf32> to vector<1024x1xf32>
    %div3A_93 = arith.divf %slice3A, %broadcast_in_dim3A_92 : vector<1024x1xf32>
    %mul3A_94 = vector.broadcast %div3A_93 : vector<1024x1xf32> to vector<1024x512xf32>
    %mul3A_95 = arith.mulf %add3A_73, %mul3A_94 : vector<1024x512xf32>
    %swap3A_96 = arith.constant 0 : index
    %swap3A_97 = arith.constant 0 : index
    %swap3A_98 = vector.load %arg10[%swap3A_96, %swap3A_97] : memref<1024x512xf32, #tpu.memory_space<vmem>>, vector<1024x512xf32>
    tpu.vector_store %arg10[%swap3A_96, %swap3A_97], %mul3A_95 {strides = array<i32>} : memref<1024x512xf32, #tpu.memory_space<vmem>>, vector<1024x512xf32>,
    %slice3A_99 = vector.extract_strided_slice %exp3A_89 {offsets = [0, 0], sizes = [1024, 1], strides = [1, 1]} : vector<1024x2xf32> to vector<1024x1xf32>
    %div3A_100 = arith.divf %slice3A_99, %broadcast_in_dim3A_92 : vector<1024x1xf32>
    %mul3A_101 = arith.mulf %div3A_26, %div3A_100 : vector<1024x1xf32>
    %swap3A_102 = arith.constant 0 : index
    %swap3A_103 = arith.constant 0 : index
    %swap3A_104 = vector.load %arg11[%swap3A_102, %swap3A_103] : memref<1024x1xf32, #tpu.memory_space<vmem>>, vector<1024x1xf32>
    tpu.vector_store %arg11[%swap3A_102, %swap3A_103], %mul3A_101 {strides = array<i32>} : memref<1024x1xf32, #tpu.memory_space<vmem>>, vector<1024x1xf32>,
    %eq3A_105 = arith.constant 3 : i32
    %eq3A_106 = arith.cmpi eq, %arg0, %eq3A_105 : i32
    %convert_element_type3A_107 = arith.extui %eq3A_106 : i1 to i32
    %cond3A_108 = arith.constant 0 : i32
    %cond3A_109 = arith.cmpi ne, %convert_element_type3A_107, %cond3A_108 : i32
    scf.if %cond3A_109 {
      %get3A_110 = arith.constant 0 : index
      %get3A_111 = arith.constant 0 : index
      %get3A_112 = vector.load %arg16[%get3A_110, %get3A_111] : memref<1x64xf32, #tpu.memory_space<vmem>>, vector<1x64xf32>
      %iota3A_113 = tpu.iota {dimensions = array<i32: 0>} : vector<64x64xi32>
      %iota3A_114 = tpu.iota {dimensions = array<i32: 1>} : vector<64x64xi32>
      %lt3A = arith.cmpi slt, %iota3A_113, %iota3A_114 : vector<64x64xi32>
      %convert_element_type3A_115 = arith.extui %lt3A : vector<64x64xi1> to vector<64x64xi32>
      %convert_element_type3A_116 = arith.sitofp %convert_element_type3A_115 : vector<64x64xi32> to vector<64x64xf32>
      %dot_general3A_117 = arith.constant dense<0.000000e+00> : vector<1x64xf32>
      %dot_general3A_118 = tpu.matmul %get3A_112, %convert_element_type3A_116, %dot_general3A_117 {dimension_numbers = #tpu.dot_dimension_numbers<[1], [0], [0], [1], [0, 0, 1, 1], [], []>, transpose_lhs_hint = false} : vector<1x64xf32>, vector<64x64xf32>, vector<1x64xf32> -> vector<1x64xf32>
      %convert_element_type3A_119 = arith.fptosi %get3A_112 : vector<1x64xf32> to vector<1x64xi32>
      %swap3A_120 = arith.constant 0 : index
      %swap3A_121 = arith.constant 0 : index
      %swap3A_122 = vector.load %arg14[%swap3A_120, %swap3A_121] : memref<1x64xi32, #tpu.memory_space<vmem>>, vector<1x64xi32>
      tpu.vector_store %arg14[%swap3A_120, %swap3A_121], %convert_element_type3A_119 {strides = array<i32>} : memref<1x64xi32, #tpu.memory_space<vmem>>, vector<1x64xi32>,
      %convert_element_type3A_123 = arith.fptosi %dot_general3A_118 : vector<1x64xf32> to vector<1x64xi32>
      %swap3A_124 = arith.constant 0 : index
      %swap3A_125 = arith.constant 0 : index
      %swap3A_126 = vector.load %arg15[%swap3A_124, %swap3A_125] : memref<1x64xi32, #tpu.memory_space<vmem>>, vector<1x64xi32>
      tpu.vector_store %arg15[%swap3A_124, %swap3A_125], %convert_element_type3A_123 {strides = array<i32>} : memref<1x64xi32, #tpu.memory_space<vmem>>, vector<1x64xi32>,
    } else {
    }
    return
  }
  func.func @transform_0(%arg0: i32) -> (i32, i32) {
    %c0_i32 = arith.constant 0 : i32
    %c0_i32_0 = arith.constant 0 : i32
    return %arg0, %c0_i32 : i32, i32
  }
  func.func @transform_1(%arg0: i32) -> (i32, i32) {
    %c0_i32 = arith.constant 0 : i32
    %c0_i32_0 = arith.constant 0 : i32
    %c0_i32_1 = arith.constant 0 : i32
    return %c0_i32, %c0_i32_0 : i32, i32
  }
  func.func @transform_2(%arg0: i32) -> (i32, i32) {
    %c0_i32 = arith.constant 0 : i32
    %c0_i32_0 = arith.constant 0 : i32
    %c0_i32_1 = arith.constant 0 : i32
    return %c0_i32, %c0_i32_0 : i32, i32
  }
  func.func @transform_3(%arg0: i32) -> (i32, i32) {
    %c0_i32 = arith.constant 0 : i32
    %c0_i32_0 = arith.constant 0 : i32
    %c0_i32_1 = arith.constant 0 : i32
    return %c0_i32, %c0_i32_0 : i32, i32
  }
  func.func @transform_4(%arg0: i32) -> (i32, i32) {
    %c0_i32 = arith.constant 0 : i32
    %c0_i32_0 = arith.constant 0 : i32
    %c0_i32_1 = arith.constant 0 : i32
    return %c0_i32, %c0_i32_0 : i32, i32
  }
  func.func @transform_5(%arg0: i32) -> (i32, i32) {
    %c0_i32 = arith.constant 0 : i32
    %c0_i32_0 = arith.constant 0 : i32
    %c0_i32_1 = arith.constant 0 : i32
    return %c0_i32, %c0_i32_0 : i32, i32
  }
  func.func @transform_6(%arg0: i32) -> (i32, i32) {
    %c0_i32 = arith.constant 0 : i32
    %c0_i32_0 = arith.constant 0 : i32
    %c0_i32_1 = arith.constant 0 : i32
    return %c0_i32, %c0_i32_0 : i32, i32
  }
  func.func @transform_7(%arg0: i32) -> (i32, i32) {
    %c0_i32 = arith.constant 0 : i32
    %c0_i32_0 = arith.constant 0 : i32
    %c0_i32_1 = arith.constant 0 : i32
    return %c0_i32, %c0_i32_0 : i32, i32
  }
  func.func @transform_8(%arg0: i32) -> (i32, i32) {
    %c0_i32 = arith.constant 0 : i32
    %c0_i32_0 = arith.constant 0 : i32
    return %arg0, %c0_i32 : i32, i32
  }
  func.func @transform_9(%arg0: i32) -> (i32, i32) {
    %c0_i32 = arith.constant 0 : i32
    %c0_i32_0 = arith.constant 0 : i32
    return %arg0, %c0_i32 : i32, i32
  }
  func.func @transform_10(%arg0: i32) -> (i32, i32) {
    %c0_i32 = arith.constant 0 : i32
    %c0_i32_0 = arith.constant 0 : i32
    return %arg0, %c0_i32 : i32, i32
  }
  func.func @transform_11(%arg0: i32) -> (i32, i32) {
    %c0_i32 = arith.constant 0 : i32
    %c0_i32_0 = arith.constant 0 : i32
    return %arg0, %c0_i32 : i32, i32
  }
  func.func @transform_12(%arg0: i32) -> (i32, i32) {
    %c0_i32 = arith.constant 0 : i32
    %c0_i32_0 = arith.constant 0 : i32
    return %arg0, %c0_i32 : i32, i32
  }
  func.func @transform_13(%arg0: i32) -> (i32, i32) {
    %c0_i32 = arith.constant 0 : i32
    %c0_i32_0 = arith.constant 0 : i32
    %c0_i32_1 = arith.constant 0 : i32
    return %c0_i32, %c0_i32_0 : i32, i32
  }
  func.func @transform_14(%arg0: i32) -> (i32, i32) {
    %c0_i32 = arith.constant 0 : i32
    %c0_i32_0 = arith.constant 0 : i32
    %c0_i32_1 = arith.constant 0 : i32
    return %c0_i32, %c0_i32_0 : i32, i32
  }
}

module attributes {stable_mosaic.version = 14 : i64} {
  func.func @_stage2_body(%arg0: i32, %arg1: memref<64xi32, #tpu.memory_space<smem>>, %arg2: memref<64xi32, #tpu.memory_space<smem>>, %arg3: memref<4096x512xf32, #tpu.memory_space<vmem>>, %arg4: memref<8x512x512xf32, #tpu.memory_space<vmem>>, %arg5: memref<8x1x512xf32, #tpu.memory_space<vmem>>, %arg6: memref<4096x512xf32, #tpu.memory_space<vmem>>) attributes {dimension_semantics = [#tpu.dimension_semantics<arbitrary>], iteration_bounds = array<i64: 8>, scalar_prefetch = 2 : i64, scratch_operands = 0 : i64, tpu.core_type = #tpu.core_type<tc>, window_params = [{pipeline_mode = #tpu.pipeline_mode<synchronous>, transform_indices = @transform_0, window_bounds = array<i64: 4096, 512>}, {transform_indices = @transform_1, window_bounds = array<i64: 8, 512, 512>}, {transform_indices = @transform_2, window_bounds = array<i64: 8, 1, 512>}, {pipeline_mode = #tpu.pipeline_mode<synchronous>, transform_indices = @transform_3, window_bounds = array<i64: 4096, 512>}]} {
    %mul3A = arith.constant 8 : i32
    %mul3A_0 = arith.muli %arg0, %mul3A : i32
    %add3A = arith.constant 0 : i32
    %add3A_1 = arith.addi %mul3A_0, %add3A : i32
    %get3A = arith.index_cast %add3A_1 : i32 to index
    %get3A_2 = memref.load %arg1[%get3A] : memref<64xi32, #tpu.memory_space<smem>>
    %get3A_3 = arith.index_cast %add3A_1 : i32 to index
    %get3A_4 = memref.load %arg2[%get3A_3] : memref<64xi32, #tpu.memory_space<smem>>
    %jit3A = arith.constant 8 : i32
    %div3A = arith.divsi %get3A_2, %jit3A : i32
    %sign3A = arith.constant 0 : i32
    %sign3A_5 = arith.cmpi sgt, %get3A_2, %sign3A : i32
    %sign3A_6 = arith.extui %sign3A_5 : i1 to i32
    %sign3A_7 = arith.constant 0 : i32
    %sign3A_8 = arith.cmpi slt, %get3A_2, %sign3A_7 : i32
    %sign3A_9 = arith.extui %sign3A_8 : i1 to i32
    %sign3A_10 = arith.subi %sign3A_6, %sign3A_9 : i32
    %sign3A_11 = arith.constant 0 : i32
    %sign3A_12 = arith.cmpi sgt, %jit3A, %sign3A_11 : i32
    %sign3A_13 = arith.extui %sign3A_12 : i1 to i32
    %sign3A_14 = arith.constant 0 : i32
    %sign3A_15 = arith.cmpi slt, %jit3A, %sign3A_14 : i32
    %sign3A_16 = arith.extui %sign3A_15 : i1 to i32
    %sign3A_17 = arith.subi %sign3A_13, %sign3A_16 : i32
    %ne3A = arith.cmpi ne, %sign3A_10, %sign3A_17 : i32
    %rem3A = arith.remsi %get3A_2, %jit3A : i32
    %ne3A_18 = arith.constant 0 : i32
    %ne3A_19 = arith.cmpi ne, %rem3A, %ne3A_18 : i32
    %and3A = arith.andi %ne3A, %ne3A_19 : i1
    %sub3A = arith.constant 1 : i32
    %sub3A_20 = arith.subi %div3A, %sub3A : i32
    %select_n3A = arith.select %and3A, %sub3A_20, %div3A : i32
    %mul3A_21 = arith.constant 8 : i32
    %mul3A_22 = arith.muli %select_n3A, %mul3A_21 : i32
    %sub3A_23 = arith.subi %get3A_2, %mul3A_22 : i32
    %add3A_24 = arith.addi %get3A_4, %sub3A_23 : i32
    %add3A_25 = arith.constant 128 : i32
    %add3A_26 = arith.addi %add3A_24, %add3A_25 : i32
    %sub3A_27 = arith.constant 1 : i32
    %sub3A_28 = arith.subi %add3A_26, %sub3A_27 : i32
    %jit3A_29 = arith.constant 128 : i32
    %div3A_30 = arith.divsi %sub3A_28, %jit3A_29 : i32
    %sign3A_31 = arith.constant 0 : i32
    %sign3A_32 = arith.cmpi sgt, %sub3A_28, %sign3A_31 : i32
    %sign3A_33 = arith.extui %sign3A_32 : i1 to i32
    %sign3A_34 = arith.constant 0 : i32
    %sign3A_35 = arith.cmpi slt, %sub3A_28, %sign3A_34 : i32
    %sign3A_36 = arith.extui %sign3A_35 : i1 to i32
    %sign3A_37 = arith.subi %sign3A_33, %sign3A_36 : i32
    %sign3A_38 = arith.constant 0 : i32
    %sign3A_39 = arith.cmpi sgt, %jit3A_29, %sign3A_38 : i32
    %sign3A_40 = arith.extui %sign3A_39 : i1 to i32
    %sign3A_41 = arith.constant 0 : i32
    %sign3A_42 = arith.cmpi slt, %jit3A_29, %sign3A_41 : i32
    %sign3A_43 = arith.extui %sign3A_42 : i1 to i32
    %sign3A_44 = arith.subi %sign3A_40, %sign3A_43 : i32
    %ne3A_45 = arith.cmpi ne, %sign3A_37, %sign3A_44 : i32
    %rem3A_46 = arith.remsi %sub3A_28, %jit3A_29 : i32
    %ne3A_47 = arith.constant 0 : i32
    %ne3A_48 = arith.cmpi ne, %rem3A_46, %ne3A_47 : i32
    %and3A_49 = arith.andi %ne3A_45, %ne3A_48 : i1
    %sub3A_50 = arith.constant 1 : i32
    %sub3A_51 = arith.subi %div3A_30, %sub3A_50 : i32
    %select_n3A_52 = arith.select %and3A_49, %sub3A_51, %div3A_30 : i32
    %get3A_53 = arith.constant 0 : index
    %get3A_54 = arith.constant 0 : index
    %get3A_55 = arith.constant 0 : index
    %get3A_56 = vector.load %arg4[%get3A_53, %get3A_54, %get3A_55] : memref<8x512x512xf32, #tpu.memory_space<vmem>>, vector<1x512x512xf32>
    %get3A_57 = vector.shape_cast %get3A_56 : vector<1x512x512xf32> to vector<512x512xf32>
    %convert_element_type3A = arith.truncf %get3A_57 : vector<512x512xf32> to vector<512x512xbf16>
    %get3A_58 = arith.constant 0 : index
    %get3A_59 = arith.constant 0 : index
    %get3A_60 = arith.constant 0 : index
    %get3A_61 = vector.load %arg5[%get3A_58, %get3A_59, %get3A_60] : memref<8x1x512xf32, #tpu.memory_space<vmem>>, vector<1x1x512xf32>
    %get3A_62 = vector.shape_cast %get3A_61 : vector<1x1x512xf32> to vector<1x512xf32>
    %while3A = arith.constant 0 : i32
    %while3A_63 = arith.constant 0 : i32
    %while3A_64 = arith.subi %select_n3A_52, %while3A : i32
    %while3A_65 = arith.addi %while3A, %while3A_64 : i32
    %while3A_66 = arith.constant 1 : i32
    %while3A_67 = arith.divsi %while3A_64, %while3A_66 : i32
    %while3A_68 = arith.muli %while3A_67, %while3A_66 : i32
    %while3A_69 = arith.addi %while3A, %while3A_68 : i32
    %while3A_70 = arith.constant 1 : i32
    %while3A_71 = scf.for %while3A_683 = %while3A to %while3A_69 step %while3A_70 iter_args(%while3A_684 = %while3A_63) -> (i32)  : i32 {
      %mul3A_685 = arith.constant 128 : i32
      %mul3A_686 = arith.muli %while3A_683, %mul3A_685 : i32
      %add3A_687 = arith.addi %mul3A_22, %mul3A_686 : i32
      %min3A = arith.constant 3968 : i32
      %min3A_688 = arith.minsi %add3A_687, %min3A : i32
      %multiple_of3A = tpu.assume_multiple %min3A_688, 8 : i32
      %get3A_689 = arith.index_cast %multiple_of3A : i32 to index
      %get3A_690 = arith.constant 0 : index
      %get3A_691 = vector.load %arg3[%get3A_689, %get3A_690] : memref<4096x512xf32, #tpu.memory_space<vmem>>, vector<128x512xf32>
      %convert_element_type3A_692 = arith.truncf %get3A_691 : vector<128x512xf32> to vector<128x512xbf16>
      %dot_general3A = arith.constant dense<0.000000e+00> : vector<128x512xf32>
      %dot_general3A_693 = tpu.matmul %convert_element_type3A_692, %convert_element_type3A, %dot_general3A {dimension_numbers = #tpu.dot_dimension_numbers<[1], [0], [0], [1], [0, 0, 1, 1], [], []>, transpose_lhs_hint = false} : vector<128x512xbf16>, vector<512x512xbf16>, vector<128x512xf32> -> vector<128x512xf32>
      %add3A_694 = vector.broadcast %get3A_62 : vector<1x512xf32> to vector<128x512xf32>
      %add3A_695 = arith.addf %dot_general3A_693, %add3A_694 : vector<128x512xf32>
      %iota3A = tpu.iota {dimensions = array<i32: 0>} : vector<128x1xi32>
      %add3A_696 = vector.broadcast %multiple_of3A : i32 to vector<128x1xi32>
      %add3A_697 = arith.addi %add3A_696, %iota3A : vector<128x1xi32>
      %ge3A = vector.broadcast %get3A_2 : i32 to vector<128x1xi32>
      %ge3A_698 = arith.cmpi sge, %add3A_697, %ge3A : vector<128x1xi32>
      %add3A_699 = arith.addi %get3A_2, %get3A_4 : i32
      %lt3A = vector.broadcast %add3A_699 : i32 to vector<128x1xi32>
      %lt3A_700 = arith.cmpi slt, %add3A_697, %lt3A : vector<128x1xi32>
      %and3A_701 = arith.andi %ge3A_698, %lt3A_700 : vector<128x1xi1>
      %get3A_702 = arith.index_cast %multiple_of3A : i32 to index
      %get3A_703 = arith.constant 0 : index
      %get3A_704 = vector.load %arg6[%get3A_702, %get3A_703] : memref<4096x512xf32, #tpu.memory_space<vmem>>, vector<128x512xf32>
      %broadcast_in_dim3A = vector.shape_cast %and3A_701 : vector<128x1xi1> to vector<128x1xi1>
      %broadcast_in_dim3A_705 = vector.broadcast %broadcast_in_dim3A : vector<128x1xi1> to vector<128x512xi1>
      %select_n3A_706 = arith.select %broadcast_in_dim3A_705, %add3A_695, %get3A_704 : vector<128x512xi1>, vector<128x512xf32>
      %swap3A = arith.index_cast %multiple_of3A : i32 to index
      %swap3A_707 = arith.constant 0 : index
      %swap3A_708 = vector.load %arg6[%swap3A, %swap3A_707] : memref<4096x512xf32, #tpu.memory_space<vmem>>, vector<128x512xf32>
      tpu.vector_store %arg6[%swap3A, %swap3A_707], %select_n3A_706 {strides = array<i32>} : memref<4096x512xf32, #tpu.memory_space<vmem>>, vector<128x512xf32>,
      %while3A_709 = arith.constant 0 : i32
      scf.yield %while3A_709 : i32
    }
    %while3A_72 = arith.constant 1 : i32
    %while3A_73 = scf.for %while3A_683 = %while3A_69 to %while3A_65 step %while3A_72 iter_args(%while3A_684 = %while3A_71) -> (i32)  : i32 {
      %mul3A_685 = arith.constant 128 : i32
      %mul3A_686 = arith.muli %while3A_683, %mul3A_685 : i32
      %add3A_687 = arith.addi %mul3A_22, %mul3A_686 : i32
      %min3A = arith.constant 3968 : i32
      %min3A_688 = arith.minsi %add3A_687, %min3A : i32
      %multiple_of3A = tpu.assume_multiple %min3A_688, 8 : i32
      %get3A_689 = arith.index_cast %multiple_of3A : i32 to index
      %get3A_690 = arith.constant 0 : index
      %get3A_691 = vector.load %arg3[%get3A_689, %get3A_690] : memref<4096x512xf32, #tpu.memory_space<vmem>>, vector<128x512xf32>
      %convert_element_type3A_692 = arith.truncf %get3A_691 : vector<128x512xf32> to vector<128x512xbf16>
      %dot_general3A = arith.constant dense<0.000000e+00> : vector<128x512xf32>
      %dot_general3A_693 = tpu.matmul %convert_element_type3A_692, %convert_element_type3A, %dot_general3A {dimension_numbers = #tpu.dot_dimension_numbers<[1], [0], [0], [1], [0, 0, 1, 1], [], []>, transpose_lhs_hint = false} : vector<128x512xbf16>, vector<512x512xbf16>, vector<128x512xf32> -> vector<128x512xf32>
      %add3A_694 = vector.broadcast %get3A_62 : vector<1x512xf32> to vector<128x512xf32>
      %add3A_695 = arith.addf %dot_general3A_693, %add3A_694 : vector<128x512xf32>
      %iota3A = tpu.iota {dimensions = array<i32: 0>} : vector<128x1xi32>
      %add3A_696 = vector.broadcast %multiple_of3A : i32 to vector<128x1xi32>
      %add3A_697 = arith.addi %add3A_696, %iota3A : vector<128x1xi32>
      %ge3A = vector.broadcast %get3A_2 : i32 to vector<128x1xi32>
      %ge3A_698 = arith.cmpi sge, %add3A_697, %ge3A : vector<128x1xi32>
      %add3A_699 = arith.addi %get3A_2, %get3A_4 : i32
      %lt3A = vector.broadcast %add3A_699 : i32 to vector<128x1xi32>
      %lt3A_700 = arith.cmpi slt, %add3A_697, %lt3A : vector<128x1xi32>
      %and3A_701 = arith.andi %ge3A_698, %lt3A_700 : vector<128x1xi1>
      %get3A_702 = arith.index_cast %multiple_of3A : i32 to index
      %get3A_703 = arith.constant 0 : index
      %get3A_704 = vector.load %arg6[%get3A_702, %get3A_703] : memref<4096x512xf32, #tpu.memory_space<vmem>>, vector<128x512xf32>
      %broadcast_in_dim3A = vector.shape_cast %and3A_701 : vector<128x1xi1> to vector<128x1xi1>
      %broadcast_in_dim3A_705 = vector.broadcast %broadcast_in_dim3A : vector<128x1xi1> to vector<128x512xi1>
      %select_n3A_706 = arith.select %broadcast_in_dim3A_705, %add3A_695, %get3A_704 : vector<128x512xi1>, vector<128x512xf32>
      %swap3A = arith.index_cast %multiple_of3A : i32 to index
      %swap3A_707 = arith.constant 0 : index
      %swap3A_708 = vector.load %arg6[%swap3A, %swap3A_707] : memref<4096x512xf32, #tpu.memory_space<vmem>>, vector<128x512xf32>
      tpu.vector_store %arg6[%swap3A, %swap3A_707], %select_n3A_706 {strides = array<i32>} : memref<4096x512xf32, #tpu.memory_space<vmem>>, vector<128x512xf32>,
      %while3A_709 = arith.constant 0 : i32
      scf.yield %while3A_709 : i32
    }
    %mul3A_74 = arith.constant 8 : i32
    %mul3A_75 = arith.muli %arg0, %mul3A_74 : i32
    %add3A_76 = arith.constant 1 : i32
    %add3A_77 = arith.addi %mul3A_75, %add3A_76 : i32
    %get3A_78 = arith.index_cast %add3A_77 : i32 to index
    %get3A_79 = memref.load %arg1[%get3A_78] : memref<64xi32, #tpu.memory_space<smem>>
    %get3A_80 = arith.index_cast %add3A_77 : i32 to index
    %get3A_81 = memref.load %arg2[%get3A_80] : memref<64xi32, #tpu.memory_space<smem>>
    %jit3A_82 = arith.constant 8 : i32
    %div3A_83 = arith.divsi %get3A_79, %jit3A_82 : i32
    %sign3A_84 = arith.constant 0 : i32
    %sign3A_85 = arith.cmpi sgt, %get3A_79, %sign3A_84 : i32
    %sign3A_86 = arith.extui %sign3A_85 : i1 to i32
    %sign3A_87 = arith.constant 0 : i32
    %sign3A_88 = arith.cmpi slt, %get3A_79, %sign3A_87 : i32
    %sign3A_89 = arith.extui %sign3A_88 : i1 to i32
    %sign3A_90 = arith.subi %sign3A_86, %sign3A_89 : i32
    %sign3A_91 = arith.constant 0 : i32
    %sign3A_92 = arith.cmpi sgt, %jit3A_82, %sign3A_91 : i32
    %sign3A_93 = arith.extui %sign3A_92 : i1 to i32
    %sign3A_94 = arith.constant 0 : i32
    %sign3A_95 = arith.cmpi slt, %jit3A_82, %sign3A_94 : i32
    %sign3A_96 = arith.extui %sign3A_95 : i1 to i32
    %sign3A_97 = arith.subi %sign3A_93, %sign3A_96 : i32
    %ne3A_98 = arith.cmpi ne, %sign3A_90, %sign3A_97 : i32
    %rem3A_99 = arith.remsi %get3A_79, %jit3A_82 : i32
    %ne3A_100 = arith.constant 0 : i32
    %ne3A_101 = arith.cmpi ne, %rem3A_99, %ne3A_100 : i32
    %and3A_102 = arith.andi %ne3A_98, %ne3A_101 : i1
    %sub3A_103 = arith.constant 1 : i32
    %sub3A_104 = arith.subi %div3A_83, %sub3A_103 : i32
    %select_n3A_105 = arith.select %and3A_102, %sub3A_104, %div3A_83 : i32
    %mul3A_106 = arith.constant 8 : i32
    %mul3A_107 = arith.muli %select_n3A_105, %mul3A_106 : i32
    %sub3A_108 = arith.subi %get3A_79, %mul3A_107 : i32
    %add3A_109 = arith.addi %get3A_81, %sub3A_108 : i32
    %add3A_110 = arith.constant 128 : i32
    %add3A_111 = arith.addi %add3A_109, %add3A_110 : i32
    %sub3A_112 = arith.constant 1 : i32
    %sub3A_113 = arith.subi %add3A_111, %sub3A_112 : i32
    %jit3A_114 = arith.constant 128 : i32
    %div3A_115 = arith.divsi %sub3A_113, %jit3A_114 : i32
    %sign3A_116 = arith.constant 0 : i32
    %sign3A_117 = arith.cmpi sgt, %sub3A_113, %sign3A_116 : i32
    %sign3A_118 = arith.extui %sign3A_117 : i1 to i32
    %sign3A_119 = arith.constant 0 : i32
    %sign3A_120 = arith.cmpi slt, %sub3A_113, %sign3A_119 : i32
    %sign3A_121 = arith.extui %sign3A_120 : i1 to i32
    %sign3A_122 = arith.subi %sign3A_118, %sign3A_121 : i32
    %sign3A_123 = arith.constant 0 : i32
    %sign3A_124 = arith.cmpi sgt, %jit3A_114, %sign3A_123 : i32
    %sign3A_125 = arith.extui %sign3A_124 : i1 to i32
    %sign3A_126 = arith.constant 0 : i32
    %sign3A_127 = arith.cmpi slt, %jit3A_114, %sign3A_126 : i32
    %sign3A_128 = arith.extui %sign3A_127 : i1 to i32
    %sign3A_129 = arith.subi %sign3A_125, %sign3A_128 : i32
    %ne3A_130 = arith.cmpi ne, %sign3A_122, %sign3A_129 : i32
    %rem3A_131 = arith.remsi %sub3A_113, %jit3A_114 : i32
    %ne3A_132 = arith.constant 0 : i32
    %ne3A_133 = arith.cmpi ne, %rem3A_131, %ne3A_132 : i32
    %and3A_134 = arith.andi %ne3A_130, %ne3A_133 : i1
    %sub3A_135 = arith.constant 1 : i32
    %sub3A_136 = arith.subi %div3A_115, %sub3A_135 : i32
    %select_n3A_137 = arith.select %and3A_134, %sub3A_136, %div3A_115 : i32
    %get3A_138 = arith.constant 1 : index
    %get3A_139 = arith.constant 0 : index
    %get3A_140 = arith.constant 0 : index
    %get3A_141 = vector.load %arg4[%get3A_138, %get3A_139, %get3A_140] : memref<8x512x512xf32, #tpu.memory_space<vmem>>, vector<1x512x512xf32>
    %get3A_142 = vector.shape_cast %get3A_141 : vector<1x512x512xf32> to vector<512x512xf32>
    %convert_element_type3A_143 = arith.truncf %get3A_142 : vector<512x512xf32> to vector<512x512xbf16>
    %get3A_144 = arith.constant 1 : index
    %get3A_145 = arith.constant 0 : index
    %get3A_146 = arith.constant 0 : index
    %get3A_147 = vector.load %arg5[%get3A_144, %get3A_145, %get3A_146] : memref<8x1x512xf32, #tpu.memory_space<vmem>>, vector<1x1x512xf32>
    %get3A_148 = vector.shape_cast %get3A_147 : vector<1x1x512xf32> to vector<1x512xf32>
    %while3A_149 = arith.constant 0 : i32
    %while3A_150 = arith.constant 0 : i32
    %while3A_151 = arith.subi %select_n3A_137, %while3A_149 : i32
    %while3A_152 = arith.addi %while3A_149, %while3A_151 : i32
    %while3A_153 = arith.constant 1 : i32
    %while3A_154 = arith.divsi %while3A_151, %while3A_153 : i32
    %while3A_155 = arith.muli %while3A_154, %while3A_153 : i32
    %while3A_156 = arith.addi %while3A_149, %while3A_155 : i32
    %while3A_157 = arith.constant 1 : i32
    %while3A_158 = scf.for %while3A_683 = %while3A_149 to %while3A_156 step %while3A_157 iter_args(%while3A_684 = %while3A_150) -> (i32)  : i32 {
      %mul3A_685 = arith.constant 128 : i32
      %mul3A_686 = arith.muli %while3A_683, %mul3A_685 : i32
      %add3A_687 = arith.addi %mul3A_107, %mul3A_686 : i32
      %min3A = arith.constant 3968 : i32
      %min3A_688 = arith.minsi %add3A_687, %min3A : i32
      %multiple_of3A = tpu.assume_multiple %min3A_688, 8 : i32
      %get3A_689 = arith.index_cast %multiple_of3A : i32 to index
      %get3A_690 = arith.constant 0 : index
      %get3A_691 = vector.load %arg3[%get3A_689, %get3A_690] : memref<4096x512xf32, #tpu.memory_space<vmem>>, vector<128x512xf32>
      %convert_element_type3A_692 = arith.truncf %get3A_691 : vector<128x512xf32> to vector<128x512xbf16>
      %dot_general3A = arith.constant dense<0.000000e+00> : vector<128x512xf32>
      %dot_general3A_693 = tpu.matmul %convert_element_type3A_692, %convert_element_type3A_143, %dot_general3A {dimension_numbers = #tpu.dot_dimension_numbers<[1], [0], [0], [1], [0, 0, 1, 1], [], []>, transpose_lhs_hint = false} : vector<128x512xbf16>, vector<512x512xbf16>, vector<128x512xf32> -> vector<128x512xf32>
      %add3A_694 = vector.broadcast %get3A_148 : vector<1x512xf32> to vector<128x512xf32>
      %add3A_695 = arith.addf %dot_general3A_693, %add3A_694 : vector<128x512xf32>
      %iota3A = tpu.iota {dimensions = array<i32: 0>} : vector<128x1xi32>
      %add3A_696 = vector.broadcast %multiple_of3A : i32 to vector<128x1xi32>
      %add3A_697 = arith.addi %add3A_696, %iota3A : vector<128x1xi32>
      %ge3A = vector.broadcast %get3A_79 : i32 to vector<128x1xi32>
      %ge3A_698 = arith.cmpi sge, %add3A_697, %ge3A : vector<128x1xi32>
      %add3A_699 = arith.addi %get3A_79, %get3A_81 : i32
      %lt3A = vector.broadcast %add3A_699 : i32 to vector<128x1xi32>
      %lt3A_700 = arith.cmpi slt, %add3A_697, %lt3A : vector<128x1xi32>
      %and3A_701 = arith.andi %ge3A_698, %lt3A_700 : vector<128x1xi1>
      %get3A_702 = arith.index_cast %multiple_of3A : i32 to index
      %get3A_703 = arith.constant 0 : index
      %get3A_704 = vector.load %arg6[%get3A_702, %get3A_703] : memref<4096x512xf32, #tpu.memory_space<vmem>>, vector<128x512xf32>
      %broadcast_in_dim3A = vector.shape_cast %and3A_701 : vector<128x1xi1> to vector<128x1xi1>
      %broadcast_in_dim3A_705 = vector.broadcast %broadcast_in_dim3A : vector<128x1xi1> to vector<128x512xi1>
      %select_n3A_706 = arith.select %broadcast_in_dim3A_705, %add3A_695, %get3A_704 : vector<128x512xi1>, vector<128x512xf32>
      %swap3A = arith.index_cast %multiple_of3A : i32 to index
      %swap3A_707 = arith.constant 0 : index
      %swap3A_708 = vector.load %arg6[%swap3A, %swap3A_707] : memref<4096x512xf32, #tpu.memory_space<vmem>>, vector<128x512xf32>
      tpu.vector_store %arg6[%swap3A, %swap3A_707], %select_n3A_706 {strides = array<i32>} : memref<4096x512xf32, #tpu.memory_space<vmem>>, vector<128x512xf32>,
      %while3A_709 = arith.constant 0 : i32
      scf.yield %while3A_709 : i32
    }
    %while3A_159 = arith.constant 1 : i32
    %while3A_160 = scf.for %while3A_683 = %while3A_156 to %while3A_152 step %while3A_159 iter_args(%while3A_684 = %while3A_158) -> (i32)  : i32 {
      %mul3A_685 = arith.constant 128 : i32
      %mul3A_686 = arith.muli %while3A_683, %mul3A_685 : i32
      %add3A_687 = arith.addi %mul3A_107, %mul3A_686 : i32
      %min3A = arith.constant 3968 : i32
      %min3A_688 = arith.minsi %add3A_687, %min3A : i32
      %multiple_of3A = tpu.assume_multiple %min3A_688, 8 : i32
      %get3A_689 = arith.index_cast %multiple_of3A : i32 to index
      %get3A_690 = arith.constant 0 : index
      %get3A_691 = vector.load %arg3[%get3A_689, %get3A_690] : memref<4096x512xf32, #tpu.memory_space<vmem>>, vector<128x512xf32>
      %convert_element_type3A_692 = arith.truncf %get3A_691 : vector<128x512xf32> to vector<128x512xbf16>
      %dot_general3A = arith.constant dense<0.000000e+00> : vector<128x512xf32>
      %dot_general3A_693 = tpu.matmul %convert_element_type3A_692, %convert_element_type3A_143, %dot_general3A {dimension_numbers = #tpu.dot_dimension_numbers<[1], [0], [0], [1], [0, 0, 1, 1], [], []>, transpose_lhs_hint = false} : vector<128x512xbf16>, vector<512x512xbf16>, vector<128x512xf32> -> vector<128x512xf32>
      %add3A_694 = vector.broadcast %get3A_148 : vector<1x512xf32> to vector<128x512xf32>
      %add3A_695 = arith.addf %dot_general3A_693, %add3A_694 : vector<128x512xf32>
      %iota3A = tpu.iota {dimensions = array<i32: 0>} : vector<128x1xi32>
      %add3A_696 = vector.broadcast %multiple_of3A : i32 to vector<128x1xi32>
      %add3A_697 = arith.addi %add3A_696, %iota3A : vector<128x1xi32>
      %ge3A = vector.broadcast %get3A_79 : i32 to vector<128x1xi32>
      %ge3A_698 = arith.cmpi sge, %add3A_697, %ge3A : vector<128x1xi32>
      %add3A_699 = arith.addi %get3A_79, %get3A_81 : i32
      %lt3A = vector.broadcast %add3A_699 : i32 to vector<128x1xi32>
      %lt3A_700 = arith.cmpi slt, %add3A_697, %lt3A : vector<128x1xi32>
      %and3A_701 = arith.andi %ge3A_698, %lt3A_700 : vector<128x1xi1>
      %get3A_702 = arith.index_cast %multiple_of3A : i32 to index
      %get3A_703 = arith.constant 0 : index
      %get3A_704 = vector.load %arg6[%get3A_702, %get3A_703] : memref<4096x512xf32, #tpu.memory_space<vmem>>, vector<128x512xf32>
      %broadcast_in_dim3A = vector.shape_cast %and3A_701 : vector<128x1xi1> to vector<128x1xi1>
      %broadcast_in_dim3A_705 = vector.broadcast %broadcast_in_dim3A : vector<128x1xi1> to vector<128x512xi1>
      %select_n3A_706 = arith.select %broadcast_in_dim3A_705, %add3A_695, %get3A_704 : vector<128x512xi1>, vector<128x512xf32>
      %swap3A = arith.index_cast %multiple_of3A : i32 to index
      %swap3A_707 = arith.constant 0 : index
      %swap3A_708 = vector.load %arg6[%swap3A, %swap3A_707] : memref<4096x512xf32, #tpu.memory_space<vmem>>, vector<128x512xf32>
      tpu.vector_store %arg6[%swap3A, %swap3A_707], %select_n3A_706 {strides = array<i32>} : memref<4096x512xf32, #tpu.memory_space<vmem>>, vector<128x512xf32>,
      %while3A_709 = arith.constant 0 : i32
      scf.yield %while3A_709 : i32
    }
    %mul3A_161 = arith.constant 8 : i32
    %mul3A_162 = arith.muli %arg0, %mul3A_161 : i32
    %add3A_163 = arith.constant 2 : i32
    %add3A_164 = arith.addi %mul3A_162, %add3A_163 : i32
    %get3A_165 = arith.index_cast %add3A_164 : i32 to index
    %get3A_166 = memref.load %arg1[%get3A_165] : memref<64xi32, #tpu.memory_space<smem>>
    %get3A_167 = arith.index_cast %add3A_164 : i32 to index
    %get3A_168 = memref.load %arg2[%get3A_167] : memref<64xi32, #tpu.memory_space<smem>>
    %jit3A_169 = arith.constant 8 : i32
    %div3A_170 = arith.divsi %get3A_166, %jit3A_169 : i32
    %sign3A_171 = arith.constant 0 : i32
    %sign3A_172 = arith.cmpi sgt, %get3A_166, %sign3A_171 : i32
    %sign3A_173 = arith.extui %sign3A_172 : i1 to i32
    %sign3A_174 = arith.constant 0 : i32
    %sign3A_175 = arith.cmpi slt, %get3A_166, %sign3A_174 : i32
    %sign3A_176 = arith.extui %sign3A_175 : i1 to i32
    %sign3A_177 = arith.subi %sign3A_173, %sign3A_176 : i32
    %sign3A_178 = arith.constant 0 : i32
    %sign3A_179 = arith.cmpi sgt, %jit3A_169, %sign3A_178 : i32
    %sign3A_180 = arith.extui %sign3A_179 : i1 to i32
    %sign3A_181 = arith.constant 0 : i32
    %sign3A_182 = arith.cmpi slt, %jit3A_169, %sign3A_181 : i32
    %sign3A_183 = arith.extui %sign3A_182 : i1 to i32
    %sign3A_184 = arith.subi %sign3A_180, %sign3A_183 : i32
    %ne3A_185 = arith.cmpi ne, %sign3A_177, %sign3A_184 : i32
    %rem3A_186 = arith.remsi %get3A_166, %jit3A_169 : i32
    %ne3A_187 = arith.constant 0 : i32
    %ne3A_188 = arith.cmpi ne, %rem3A_186, %ne3A_187 : i32
    %and3A_189 = arith.andi %ne3A_185, %ne3A_188 : i1
    %sub3A_190 = arith.constant 1 : i32
    %sub3A_191 = arith.subi %div3A_170, %sub3A_190 : i32
    %select_n3A_192 = arith.select %and3A_189, %sub3A_191, %div3A_170 : i32
    %mul3A_193 = arith.constant 8 : i32
    %mul3A_194 = arith.muli %select_n3A_192, %mul3A_193 : i32
    %sub3A_195 = arith.subi %get3A_166, %mul3A_194 : i32
    %add3A_196 = arith.addi %get3A_168, %sub3A_195 : i32
    %add3A_197 = arith.constant 128 : i32
    %add3A_198 = arith.addi %add3A_196, %add3A_197 : i32
    %sub3A_199 = arith.constant 1 : i32
    %sub3A_200 = arith.subi %add3A_198, %sub3A_199 : i32
    %jit3A_201 = arith.constant 128 : i32
    %div3A_202 = arith.divsi %sub3A_200, %jit3A_201 : i32
    %sign3A_203 = arith.constant 0 : i32
    %sign3A_204 = arith.cmpi sgt, %sub3A_200, %sign3A_203 : i32
    %sign3A_205 = arith.extui %sign3A_204 : i1 to i32
    %sign3A_206 = arith.constant 0 : i32
    %sign3A_207 = arith.cmpi slt, %sub3A_200, %sign3A_206 : i32
    %sign3A_208 = arith.extui %sign3A_207 : i1 to i32
    %sign3A_209 = arith.subi %sign3A_205, %sign3A_208 : i32
    %sign3A_210 = arith.constant 0 : i32
    %sign3A_211 = arith.cmpi sgt, %jit3A_201, %sign3A_210 : i32
    %sign3A_212 = arith.extui %sign3A_211 : i1 to i32
    %sign3A_213 = arith.constant 0 : i32
    %sign3A_214 = arith.cmpi slt, %jit3A_201, %sign3A_213 : i32
    %sign3A_215 = arith.extui %sign3A_214 : i1 to i32
    %sign3A_216 = arith.subi %sign3A_212, %sign3A_215 : i32
    %ne3A_217 = arith.cmpi ne, %sign3A_209, %sign3A_216 : i32
    %rem3A_218 = arith.remsi %sub3A_200, %jit3A_201 : i32
    %ne3A_219 = arith.constant 0 : i32
    %ne3A_220 = arith.cmpi ne, %rem3A_218, %ne3A_219 : i32
    %and3A_221 = arith.andi %ne3A_217, %ne3A_220 : i1
    %sub3A_222 = arith.constant 1 : i32
    %sub3A_223 = arith.subi %div3A_202, %sub3A_222 : i32
    %select_n3A_224 = arith.select %and3A_221, %sub3A_223, %div3A_202 : i32
    %get3A_225 = arith.constant 2 : index
    %get3A_226 = arith.constant 0 : index
    %get3A_227 = arith.constant 0 : index
    %get3A_228 = vector.load %arg4[%get3A_225, %get3A_226, %get3A_227] : memref<8x512x512xf32, #tpu.memory_space<vmem>>, vector<1x512x512xf32>
    %get3A_229 = vector.shape_cast %get3A_228 : vector<1x512x512xf32> to vector<512x512xf32>
    %convert_element_type3A_230 = arith.truncf %get3A_229 : vector<512x512xf32> to vector<512x512xbf16>
    %get3A_231 = arith.constant 2 : index
    %get3A_232 = arith.constant 0 : index
    %get3A_233 = arith.constant 0 : index
    %get3A_234 = vector.load %arg5[%get3A_231, %get3A_232, %get3A_233] : memref<8x1x512xf32, #tpu.memory_space<vmem>>, vector<1x1x512xf32>
    %get3A_235 = vector.shape_cast %get3A_234 : vector<1x1x512xf32> to vector<1x512xf32>
    %while3A_236 = arith.constant 0 : i32
    %while3A_237 = arith.constant 0 : i32
    %while3A_238 = arith.subi %select_n3A_224, %while3A_236 : i32
    %while3A_239 = arith.addi %while3A_236, %while3A_238 : i32
    %while3A_240 = arith.constant 1 : i32
    %while3A_241 = arith.divsi %while3A_238, %while3A_240 : i32
    %while3A_242 = arith.muli %while3A_241, %while3A_240 : i32
    %while3A_243 = arith.addi %while3A_236, %while3A_242 : i32
    %while3A_244 = arith.constant 1 : i32
    %while3A_245 = scf.for %while3A_683 = %while3A_236 to %while3A_243 step %while3A_244 iter_args(%while3A_684 = %while3A_237) -> (i32)  : i32 {
      %mul3A_685 = arith.constant 128 : i32
      %mul3A_686 = arith.muli %while3A_683, %mul3A_685 : i32
      %add3A_687 = arith.addi %mul3A_194, %mul3A_686 : i32
      %min3A = arith.constant 3968 : i32
      %min3A_688 = arith.minsi %add3A_687, %min3A : i32
      %multiple_of3A = tpu.assume_multiple %min3A_688, 8 : i32
      %get3A_689 = arith.index_cast %multiple_of3A : i32 to index
      %get3A_690 = arith.constant 0 : index
      %get3A_691 = vector.load %arg3[%get3A_689, %get3A_690] : memref<4096x512xf32, #tpu.memory_space<vmem>>, vector<128x512xf32>
      %convert_element_type3A_692 = arith.truncf %get3A_691 : vector<128x512xf32> to vector<128x512xbf16>
      %dot_general3A = arith.constant dense<0.000000e+00> : vector<128x512xf32>
      %dot_general3A_693 = tpu.matmul %convert_element_type3A_692, %convert_element_type3A_230, %dot_general3A {dimension_numbers = #tpu.dot_dimension_numbers<[1], [0], [0], [1], [0, 0, 1, 1], [], []>, transpose_lhs_hint = false} : vector<128x512xbf16>, vector<512x512xbf16>, vector<128x512xf32> -> vector<128x512xf32>
      %add3A_694 = vector.broadcast %get3A_235 : vector<1x512xf32> to vector<128x512xf32>
      %add3A_695 = arith.addf %dot_general3A_693, %add3A_694 : vector<128x512xf32>
      %iota3A = tpu.iota {dimensions = array<i32: 0>} : vector<128x1xi32>
      %add3A_696 = vector.broadcast %multiple_of3A : i32 to vector<128x1xi32>
      %add3A_697 = arith.addi %add3A_696, %iota3A : vector<128x1xi32>
      %ge3A = vector.broadcast %get3A_166 : i32 to vector<128x1xi32>
      %ge3A_698 = arith.cmpi sge, %add3A_697, %ge3A : vector<128x1xi32>
      %add3A_699 = arith.addi %get3A_166, %get3A_168 : i32
      %lt3A = vector.broadcast %add3A_699 : i32 to vector<128x1xi32>
      %lt3A_700 = arith.cmpi slt, %add3A_697, %lt3A : vector<128x1xi32>
      %and3A_701 = arith.andi %ge3A_698, %lt3A_700 : vector<128x1xi1>
      %get3A_702 = arith.index_cast %multiple_of3A : i32 to index
      %get3A_703 = arith.constant 0 : index
      %get3A_704 = vector.load %arg6[%get3A_702, %get3A_703] : memref<4096x512xf32, #tpu.memory_space<vmem>>, vector<128x512xf32>
      %broadcast_in_dim3A = vector.shape_cast %and3A_701 : vector<128x1xi1> to vector<128x1xi1>
      %broadcast_in_dim3A_705 = vector.broadcast %broadcast_in_dim3A : vector<128x1xi1> to vector<128x512xi1>
      %select_n3A_706 = arith.select %broadcast_in_dim3A_705, %add3A_695, %get3A_704 : vector<128x512xi1>, vector<128x512xf32>
      %swap3A = arith.index_cast %multiple_of3A : i32 to index
      %swap3A_707 = arith.constant 0 : index
      %swap3A_708 = vector.load %arg6[%swap3A, %swap3A_707] : memref<4096x512xf32, #tpu.memory_space<vmem>>, vector<128x512xf32>
      tpu.vector_store %arg6[%swap3A, %swap3A_707], %select_n3A_706 {strides = array<i32>} : memref<4096x512xf32, #tpu.memory_space<vmem>>, vector<128x512xf32>,
      %while3A_709 = arith.constant 0 : i32
      scf.yield %while3A_709 : i32
    }
    %while3A_246 = arith.constant 1 : i32
    %while3A_247 = scf.for %while3A_683 = %while3A_243 to %while3A_239 step %while3A_246 iter_args(%while3A_684 = %while3A_245) -> (i32)  : i32 {
      %mul3A_685 = arith.constant 128 : i32
      %mul3A_686 = arith.muli %while3A_683, %mul3A_685 : i32
      %add3A_687 = arith.addi %mul3A_194, %mul3A_686 : i32
      %min3A = arith.constant 3968 : i32
      %min3A_688 = arith.minsi %add3A_687, %min3A : i32
      %multiple_of3A = tpu.assume_multiple %min3A_688, 8 : i32
      %get3A_689 = arith.index_cast %multiple_of3A : i32 to index
      %get3A_690 = arith.constant 0 : index
      %get3A_691 = vector.load %arg3[%get3A_689, %get3A_690] : memref<4096x512xf32, #tpu.memory_space<vmem>>, vector<128x512xf32>
      %convert_element_type3A_692 = arith.truncf %get3A_691 : vector<128x512xf32> to vector<128x512xbf16>
      %dot_general3A = arith.constant dense<0.000000e+00> : vector<128x512xf32>
      %dot_general3A_693 = tpu.matmul %convert_element_type3A_692, %convert_element_type3A_230, %dot_general3A {dimension_numbers = #tpu.dot_dimension_numbers<[1], [0], [0], [1], [0, 0, 1, 1], [], []>, transpose_lhs_hint = false} : vector<128x512xbf16>, vector<512x512xbf16>, vector<128x512xf32> -> vector<128x512xf32>
      %add3A_694 = vector.broadcast %get3A_235 : vector<1x512xf32> to vector<128x512xf32>
      %add3A_695 = arith.addf %dot_general3A_693, %add3A_694 : vector<128x512xf32>
      %iota3A = tpu.iota {dimensions = array<i32: 0>} : vector<128x1xi32>
      %add3A_696 = vector.broadcast %multiple_of3A : i32 to vector<128x1xi32>
      %add3A_697 = arith.addi %add3A_696, %iota3A : vector<128x1xi32>
      %ge3A = vector.broadcast %get3A_166 : i32 to vector<128x1xi32>
      %ge3A_698 = arith.cmpi sge, %add3A_697, %ge3A : vector<128x1xi32>
      %add3A_699 = arith.addi %get3A_166, %get3A_168 : i32
      %lt3A = vector.broadcast %add3A_699 : i32 to vector<128x1xi32>
      %lt3A_700 = arith.cmpi slt, %add3A_697, %lt3A : vector<128x1xi32>
      %and3A_701 = arith.andi %ge3A_698, %lt3A_700 : vector<128x1xi1>
      %get3A_702 = arith.index_cast %multiple_of3A : i32 to index
      %get3A_703 = arith.constant 0 : index
      %get3A_704 = vector.load %arg6[%get3A_702, %get3A_703] : memref<4096x512xf32, #tpu.memory_space<vmem>>, vector<128x512xf32>
      %broadcast_in_dim3A = vector.shape_cast %and3A_701 : vector<128x1xi1> to vector<128x1xi1>
      %broadcast_in_dim3A_705 = vector.broadcast %broadcast_in_dim3A : vector<128x1xi1> to vector<128x512xi1>
      %select_n3A_706 = arith.select %broadcast_in_dim3A_705, %add3A_695, %get3A_704 : vector<128x512xi1>, vector<128x512xf32>
      %swap3A = arith.index_cast %multiple_of3A : i32 to index
      %swap3A_707 = arith.constant 0 : index
      %swap3A_708 = vector.load %arg6[%swap3A, %swap3A_707] : memref<4096x512xf32, #tpu.memory_space<vmem>>, vector<128x512xf32>
      tpu.vector_store %arg6[%swap3A, %swap3A_707], %select_n3A_706 {strides = array<i32>} : memref<4096x512xf32, #tpu.memory_space<vmem>>, vector<128x512xf32>,
      %while3A_709 = arith.constant 0 : i32
      scf.yield %while3A_709 : i32
    }
    %mul3A_248 = arith.constant 8 : i32
    %mul3A_249 = arith.muli %arg0, %mul3A_248 : i32
    %add3A_250 = arith.constant 3 : i32
    %add3A_251 = arith.addi %mul3A_249, %add3A_250 : i32
    %get3A_252 = arith.index_cast %add3A_251 : i32 to index
    %get3A_253 = memref.load %arg1[%get3A_252] : memref<64xi32, #tpu.memory_space<smem>>
    %get3A_254 = arith.index_cast %add3A_251 : i32 to index
    %get3A_255 = memref.load %arg2[%get3A_254] : memref<64xi32, #tpu.memory_space<smem>>
    %jit3A_256 = arith.constant 8 : i32
    %div3A_257 = arith.divsi %get3A_253, %jit3A_256 : i32
    %sign3A_258 = arith.constant 0 : i32
    %sign3A_259 = arith.cmpi sgt, %get3A_253, %sign3A_258 : i32
    %sign3A_260 = arith.extui %sign3A_259 : i1 to i32
    %sign3A_261 = arith.constant 0 : i32
    %sign3A_262 = arith.cmpi slt, %get3A_253, %sign3A_261 : i32
    %sign3A_263 = arith.extui %sign3A_262 : i1 to i32
    %sign3A_264 = arith.subi %sign3A_260, %sign3A_263 : i32
    %sign3A_265 = arith.constant 0 : i32
    %sign3A_266 = arith.cmpi sgt, %jit3A_256, %sign3A_265 : i32
    %sign3A_267 = arith.extui %sign3A_266 : i1 to i32
    %sign3A_268 = arith.constant 0 : i32
    %sign3A_269 = arith.cmpi slt, %jit3A_256, %sign3A_268 : i32
    %sign3A_270 = arith.extui %sign3A_269 : i1 to i32
    %sign3A_271 = arith.subi %sign3A_267, %sign3A_270 : i32
    %ne3A_272 = arith.cmpi ne, %sign3A_264, %sign3A_271 : i32
    %rem3A_273 = arith.remsi %get3A_253, %jit3A_256 : i32
    %ne3A_274 = arith.constant 0 : i32
    %ne3A_275 = arith.cmpi ne, %rem3A_273, %ne3A_274 : i32
    %and3A_276 = arith.andi %ne3A_272, %ne3A_275 : i1
    %sub3A_277 = arith.constant 1 : i32
    %sub3A_278 = arith.subi %div3A_257, %sub3A_277 : i32
    %select_n3A_279 = arith.select %and3A_276, %sub3A_278, %div3A_257 : i32
    %mul3A_280 = arith.constant 8 : i32
    %mul3A_281 = arith.muli %select_n3A_279, %mul3A_280 : i32
    %sub3A_282 = arith.subi %get3A_253, %mul3A_281 : i32
    %add3A_283 = arith.addi %get3A_255, %sub3A_282 : i32
    %add3A_284 = arith.constant 128 : i32
    %add3A_285 = arith.addi %add3A_283, %add3A_284 : i32
    %sub3A_286 = arith.constant 1 : i32
    %sub3A_287 = arith.subi %add3A_285, %sub3A_286 : i32
    %jit3A_288 = arith.constant 128 : i32
    %div3A_289 = arith.divsi %sub3A_287, %jit3A_288 : i32
    %sign3A_290 = arith.constant 0 : i32
    %sign3A_291 = arith.cmpi sgt, %sub3A_287, %sign3A_290 : i32
    %sign3A_292 = arith.extui %sign3A_291 : i1 to i32
    %sign3A_293 = arith.constant 0 : i32
    %sign3A_294 = arith.cmpi slt, %sub3A_287, %sign3A_293 : i32
    %sign3A_295 = arith.extui %sign3A_294 : i1 to i32
    %sign3A_296 = arith.subi %sign3A_292, %sign3A_295 : i32
    %sign3A_297 = arith.constant 0 : i32
    %sign3A_298 = arith.cmpi sgt, %jit3A_288, %sign3A_297 : i32
    %sign3A_299 = arith.extui %sign3A_298 : i1 to i32
    %sign3A_300 = arith.constant 0 : i32
    %sign3A_301 = arith.cmpi slt, %jit3A_288, %sign3A_300 : i32
    %sign3A_302 = arith.extui %sign3A_301 : i1 to i32
    %sign3A_303 = arith.subi %sign3A_299, %sign3A_302 : i32
    %ne3A_304 = arith.cmpi ne, %sign3A_296, %sign3A_303 : i32
    %rem3A_305 = arith.remsi %sub3A_287, %jit3A_288 : i32
    %ne3A_306 = arith.constant 0 : i32
    %ne3A_307 = arith.cmpi ne, %rem3A_305, %ne3A_306 : i32
    %and3A_308 = arith.andi %ne3A_304, %ne3A_307 : i1
    %sub3A_309 = arith.constant 1 : i32
    %sub3A_310 = arith.subi %div3A_289, %sub3A_309 : i32
    %select_n3A_311 = arith.select %and3A_308, %sub3A_310, %div3A_289 : i32
    %get3A_312 = arith.constant 3 : index
    %get3A_313 = arith.constant 0 : index
    %get3A_314 = arith.constant 0 : index
    %get3A_315 = vector.load %arg4[%get3A_312, %get3A_313, %get3A_314] : memref<8x512x512xf32, #tpu.memory_space<vmem>>, vector<1x512x512xf32>
    %get3A_316 = vector.shape_cast %get3A_315 : vector<1x512x512xf32> to vector<512x512xf32>
    %convert_element_type3A_317 = arith.truncf %get3A_316 : vector<512x512xf32> to vector<512x512xbf16>
    %get3A_318 = arith.constant 3 : index
    %get3A_319 = arith.constant 0 : index
    %get3A_320 = arith.constant 0 : index
    %get3A_321 = vector.load %arg5[%get3A_318, %get3A_319, %get3A_320] : memref<8x1x512xf32, #tpu.memory_space<vmem>>, vector<1x1x512xf32>
    %get3A_322 = vector.shape_cast %get3A_321 : vector<1x1x512xf32> to vector<1x512xf32>
    %while3A_323 = arith.constant 0 : i32
    %while3A_324 = arith.constant 0 : i32
    %while3A_325 = arith.subi %select_n3A_311, %while3A_323 : i32
    %while3A_326 = arith.addi %while3A_323, %while3A_325 : i32
    %while3A_327 = arith.constant 1 : i32
    %while3A_328 = arith.divsi %while3A_325, %while3A_327 : i32
    %while3A_329 = arith.muli %while3A_328, %while3A_327 : i32
    %while3A_330 = arith.addi %while3A_323, %while3A_329 : i32
    %while3A_331 = arith.constant 1 : i32
    %while3A_332 = scf.for %while3A_683 = %while3A_323 to %while3A_330 step %while3A_331 iter_args(%while3A_684 = %while3A_324) -> (i32)  : i32 {
      %mul3A_685 = arith.constant 128 : i32
      %mul3A_686 = arith.muli %while3A_683, %mul3A_685 : i32
      %add3A_687 = arith.addi %mul3A_281, %mul3A_686 : i32
      %min3A = arith.constant 3968 : i32
      %min3A_688 = arith.minsi %add3A_687, %min3A : i32
      %multiple_of3A = tpu.assume_multiple %min3A_688, 8 : i32
      %get3A_689 = arith.index_cast %multiple_of3A : i32 to index
      %get3A_690 = arith.constant 0 : index
      %get3A_691 = vector.load %arg3[%get3A_689, %get3A_690] : memref<4096x512xf32, #tpu.memory_space<vmem>>, vector<128x512xf32>
      %convert_element_type3A_692 = arith.truncf %get3A_691 : vector<128x512xf32> to vector<128x512xbf16>
      %dot_general3A = arith.constant dense<0.000000e+00> : vector<128x512xf32>
      %dot_general3A_693 = tpu.matmul %convert_element_type3A_692, %convert_element_type3A_317, %dot_general3A {dimension_numbers = #tpu.dot_dimension_numbers<[1], [0], [0], [1], [0, 0, 1, 1], [], []>, transpose_lhs_hint = false} : vector<128x512xbf16>, vector<512x512xbf16>, vector<128x512xf32> -> vector<128x512xf32>
      %add3A_694 = vector.broadcast %get3A_322 : vector<1x512xf32> to vector<128x512xf32>
      %add3A_695 = arith.addf %dot_general3A_693, %add3A_694 : vector<128x512xf32>
      %iota3A = tpu.iota {dimensions = array<i32: 0>} : vector<128x1xi32>
      %add3A_696 = vector.broadcast %multiple_of3A : i32 to vector<128x1xi32>
      %add3A_697 = arith.addi %add3A_696, %iota3A : vector<128x1xi32>
      %ge3A = vector.broadcast %get3A_253 : i32 to vector<128x1xi32>
      %ge3A_698 = arith.cmpi sge, %add3A_697, %ge3A : vector<128x1xi32>
      %add3A_699 = arith.addi %get3A_253, %get3A_255 : i32
      %lt3A = vector.broadcast %add3A_699 : i32 to vector<128x1xi32>
      %lt3A_700 = arith.cmpi slt, %add3A_697, %lt3A : vector<128x1xi32>
      %and3A_701 = arith.andi %ge3A_698, %lt3A_700 : vector<128x1xi1>
      %get3A_702 = arith.index_cast %multiple_of3A : i32 to index
      %get3A_703 = arith.constant 0 : index
      %get3A_704 = vector.load %arg6[%get3A_702, %get3A_703] : memref<4096x512xf32, #tpu.memory_space<vmem>>, vector<128x512xf32>
      %broadcast_in_dim3A = vector.shape_cast %and3A_701 : vector<128x1xi1> to vector<128x1xi1>
      %broadcast_in_dim3A_705 = vector.broadcast %broadcast_in_dim3A : vector<128x1xi1> to vector<128x512xi1>
      %select_n3A_706 = arith.select %broadcast_in_dim3A_705, %add3A_695, %get3A_704 : vector<128x512xi1>, vector<128x512xf32>
      %swap3A = arith.index_cast %multiple_of3A : i32 to index
      %swap3A_707 = arith.constant 0 : index
      %swap3A_708 = vector.load %arg6[%swap3A, %swap3A_707] : memref<4096x512xf32, #tpu.memory_space<vmem>>, vector<128x512xf32>
      tpu.vector_store %arg6[%swap3A, %swap3A_707], %select_n3A_706 {strides = array<i32>} : memref<4096x512xf32, #tpu.memory_space<vmem>>, vector<128x512xf32>,
      %while3A_709 = arith.constant 0 : i32
      scf.yield %while3A_709 : i32
    }
    %while3A_333 = arith.constant 1 : i32
    %while3A_334 = scf.for %while3A_683 = %while3A_330 to %while3A_326 step %while3A_333 iter_args(%while3A_684 = %while3A_332) -> (i32)  : i32 {
      %mul3A_685 = arith.constant 128 : i32
      %mul3A_686 = arith.muli %while3A_683, %mul3A_685 : i32
      %add3A_687 = arith.addi %mul3A_281, %mul3A_686 : i32
      %min3A = arith.constant 3968 : i32
      %min3A_688 = arith.minsi %add3A_687, %min3A : i32
      %multiple_of3A = tpu.assume_multiple %min3A_688, 8 : i32
      %get3A_689 = arith.index_cast %multiple_of3A : i32 to index
      %get3A_690 = arith.constant 0 : index
      %get3A_691 = vector.load %arg3[%get3A_689, %get3A_690] : memref<4096x512xf32, #tpu.memory_space<vmem>>, vector<128x512xf32>
      %convert_element_type3A_692 = arith.truncf %get3A_691 : vector<128x512xf32> to vector<128x512xbf16>
      %dot_general3A = arith.constant dense<0.000000e+00> : vector<128x512xf32>
      %dot_general3A_693 = tpu.matmul %convert_element_type3A_692, %convert_element_type3A_317, %dot_general3A {dimension_numbers = #tpu.dot_dimension_numbers<[1], [0], [0], [1], [0, 0, 1, 1], [], []>, transpose_lhs_hint = false} : vector<128x512xbf16>, vector<512x512xbf16>, vector<128x512xf32> -> vector<128x512xf32>
      %add3A_694 = vector.broadcast %get3A_322 : vector<1x512xf32> to vector<128x512xf32>
      %add3A_695 = arith.addf %dot_general3A_693, %add3A_694 : vector<128x512xf32>
      %iota3A = tpu.iota {dimensions = array<i32: 0>} : vector<128x1xi32>
      %add3A_696 = vector.broadcast %multiple_of3A : i32 to vector<128x1xi32>
      %add3A_697 = arith.addi %add3A_696, %iota3A : vector<128x1xi32>
      %ge3A = vector.broadcast %get3A_253 : i32 to vector<128x1xi32>
      %ge3A_698 = arith.cmpi sge, %add3A_697, %ge3A : vector<128x1xi32>
      %add3A_699 = arith.addi %get3A_253, %get3A_255 : i32
      %lt3A = vector.broadcast %add3A_699 : i32 to vector<128x1xi32>
      %lt3A_700 = arith.cmpi slt, %add3A_697, %lt3A : vector<128x1xi32>
      %and3A_701 = arith.andi %ge3A_698, %lt3A_700 : vector<128x1xi1>
      %get3A_702 = arith.index_cast %multiple_of3A : i32 to index
      %get3A_703 = arith.constant 0 : index
      %get3A_704 = vector.load %arg6[%get3A_702, %get3A_703] : memref<4096x512xf32, #tpu.memory_space<vmem>>, vector<128x512xf32>
      %broadcast_in_dim3A = vector.shape_cast %and3A_701 : vector<128x1xi1> to vector<128x1xi1>
      %broadcast_in_dim3A_705 = vector.broadcast %broadcast_in_dim3A : vector<128x1xi1> to vector<128x512xi1>
      %select_n3A_706 = arith.select %broadcast_in_dim3A_705, %add3A_695, %get3A_704 : vector<128x512xi1>, vector<128x512xf32>
      %swap3A = arith.index_cast %multiple_of3A : i32 to index
      %swap3A_707 = arith.constant 0 : index
      %swap3A_708 = vector.load %arg6[%swap3A, %swap3A_707] : memref<4096x512xf32, #tpu.memory_space<vmem>>, vector<128x512xf32>
      tpu.vector_store %arg6[%swap3A, %swap3A_707], %select_n3A_706 {strides = array<i32>} : memref<4096x512xf32, #tpu.memory_space<vmem>>, vector<128x512xf32>,
      %while3A_709 = arith.constant 0 : i32
      scf.yield %while3A_709 : i32
    }
    %mul3A_335 = arith.constant 8 : i32
    %mul3A_336 = arith.muli %arg0, %mul3A_335 : i32
    %add3A_337 = arith.constant 4 : i32
    %add3A_338 = arith.addi %mul3A_336, %add3A_337 : i32
    %get3A_339 = arith.index_cast %add3A_338 : i32 to index
    %get3A_340 = memref.load %arg1[%get3A_339] : memref<64xi32, #tpu.memory_space<smem>>
    %get3A_341 = arith.index_cast %add3A_338 : i32 to index
    %get3A_342 = memref.load %arg2[%get3A_341] : memref<64xi32, #tpu.memory_space<smem>>
    %jit3A_343 = arith.constant 8 : i32
    %div3A_344 = arith.divsi %get3A_340, %jit3A_343 : i32
    %sign3A_345 = arith.constant 0 : i32
    %sign3A_346 = arith.cmpi sgt, %get3A_340, %sign3A_345 : i32
    %sign3A_347 = arith.extui %sign3A_346 : i1 to i32
    %sign3A_348 = arith.constant 0 : i32
    %sign3A_349 = arith.cmpi slt, %get3A_340, %sign3A_348 : i32
    %sign3A_350 = arith.extui %sign3A_349 : i1 to i32
    %sign3A_351 = arith.subi %sign3A_347, %sign3A_350 : i32
    %sign3A_352 = arith.constant 0 : i32
    %sign3A_353 = arith.cmpi sgt, %jit3A_343, %sign3A_352 : i32
    %sign3A_354 = arith.extui %sign3A_353 : i1 to i32
    %sign3A_355 = arith.constant 0 : i32
    %sign3A_356 = arith.cmpi slt, %jit3A_343, %sign3A_355 : i32
    %sign3A_357 = arith.extui %sign3A_356 : i1 to i32
    %sign3A_358 = arith.subi %sign3A_354, %sign3A_357 : i32
    %ne3A_359 = arith.cmpi ne, %sign3A_351, %sign3A_358 : i32
    %rem3A_360 = arith.remsi %get3A_340, %jit3A_343 : i32
    %ne3A_361 = arith.constant 0 : i32
    %ne3A_362 = arith.cmpi ne, %rem3A_360, %ne3A_361 : i32
    %and3A_363 = arith.andi %ne3A_359, %ne3A_362 : i1
    %sub3A_364 = arith.constant 1 : i32
    %sub3A_365 = arith.subi %div3A_344, %sub3A_364 : i32
    %select_n3A_366 = arith.select %and3A_363, %sub3A_365, %div3A_344 : i32
    %mul3A_367 = arith.constant 8 : i32
    %mul3A_368 = arith.muli %select_n3A_366, %mul3A_367 : i32
    %sub3A_369 = arith.subi %get3A_340, %mul3A_368 : i32
    %add3A_370 = arith.addi %get3A_342, %sub3A_369 : i32
    %add3A_371 = arith.constant 128 : i32
    %add3A_372 = arith.addi %add3A_370, %add3A_371 : i32
    %sub3A_373 = arith.constant 1 : i32
    %sub3A_374 = arith.subi %add3A_372, %sub3A_373 : i32
    %jit3A_375 = arith.constant 128 : i32
    %div3A_376 = arith.divsi %sub3A_374, %jit3A_375 : i32
    %sign3A_377 = arith.constant 0 : i32
    %sign3A_378 = arith.cmpi sgt, %sub3A_374, %sign3A_377 : i32
    %sign3A_379 = arith.extui %sign3A_378 : i1 to i32
    %sign3A_380 = arith.constant 0 : i32
    %sign3A_381 = arith.cmpi slt, %sub3A_374, %sign3A_380 : i32
    %sign3A_382 = arith.extui %sign3A_381 : i1 to i32
    %sign3A_383 = arith.subi %sign3A_379, %sign3A_382 : i32
    %sign3A_384 = arith.constant 0 : i32
    %sign3A_385 = arith.cmpi sgt, %jit3A_375, %sign3A_384 : i32
    %sign3A_386 = arith.extui %sign3A_385 : i1 to i32
    %sign3A_387 = arith.constant 0 : i32
    %sign3A_388 = arith.cmpi slt, %jit3A_375, %sign3A_387 : i32
    %sign3A_389 = arith.extui %sign3A_388 : i1 to i32
    %sign3A_390 = arith.subi %sign3A_386, %sign3A_389 : i32
    %ne3A_391 = arith.cmpi ne, %sign3A_383, %sign3A_390 : i32
    %rem3A_392 = arith.remsi %sub3A_374, %jit3A_375 : i32
    %ne3A_393 = arith.constant 0 : i32
    %ne3A_394 = arith.cmpi ne, %rem3A_392, %ne3A_393 : i32
    %and3A_395 = arith.andi %ne3A_391, %ne3A_394 : i1
    %sub3A_396 = arith.constant 1 : i32
    %sub3A_397 = arith.subi %div3A_376, %sub3A_396 : i32
    %select_n3A_398 = arith.select %and3A_395, %sub3A_397, %div3A_376 : i32
    %get3A_399 = arith.constant 4 : index
    %get3A_400 = arith.constant 0 : index
    %get3A_401 = arith.constant 0 : index
    %get3A_402 = vector.load %arg4[%get3A_399, %get3A_400, %get3A_401] : memref<8x512x512xf32, #tpu.memory_space<vmem>>, vector<1x512x512xf32>
    %get3A_403 = vector.shape_cast %get3A_402 : vector<1x512x512xf32> to vector<512x512xf32>
    %convert_element_type3A_404 = arith.truncf %get3A_403 : vector<512x512xf32> to vector<512x512xbf16>
    %get3A_405 = arith.constant 4 : index
    %get3A_406 = arith.constant 0 : index
    %get3A_407 = arith.constant 0 : index
    %get3A_408 = vector.load %arg5[%get3A_405, %get3A_406, %get3A_407] : memref<8x1x512xf32, #tpu.memory_space<vmem>>, vector<1x1x512xf32>
    %get3A_409 = vector.shape_cast %get3A_408 : vector<1x1x512xf32> to vector<1x512xf32>
    %while3A_410 = arith.constant 0 : i32
    %while3A_411 = arith.constant 0 : i32
    %while3A_412 = arith.subi %select_n3A_398, %while3A_410 : i32
    %while3A_413 = arith.addi %while3A_410, %while3A_412 : i32
    %while3A_414 = arith.constant 1 : i32
    %while3A_415 = arith.divsi %while3A_412, %while3A_414 : i32
    %while3A_416 = arith.muli %while3A_415, %while3A_414 : i32
    %while3A_417 = arith.addi %while3A_410, %while3A_416 : i32
    %while3A_418 = arith.constant 1 : i32
    %while3A_419 = scf.for %while3A_683 = %while3A_410 to %while3A_417 step %while3A_418 iter_args(%while3A_684 = %while3A_411) -> (i32)  : i32 {
      %mul3A_685 = arith.constant 128 : i32
      %mul3A_686 = arith.muli %while3A_683, %mul3A_685 : i32
      %add3A_687 = arith.addi %mul3A_368, %mul3A_686 : i32
      %min3A = arith.constant 3968 : i32
      %min3A_688 = arith.minsi %add3A_687, %min3A : i32
      %multiple_of3A = tpu.assume_multiple %min3A_688, 8 : i32
      %get3A_689 = arith.index_cast %multiple_of3A : i32 to index
      %get3A_690 = arith.constant 0 : index
      %get3A_691 = vector.load %arg3[%get3A_689, %get3A_690] : memref<4096x512xf32, #tpu.memory_space<vmem>>, vector<128x512xf32>
      %convert_element_type3A_692 = arith.truncf %get3A_691 : vector<128x512xf32> to vector<128x512xbf16>
      %dot_general3A = arith.constant dense<0.000000e+00> : vector<128x512xf32>
      %dot_general3A_693 = tpu.matmul %convert_element_type3A_692, %convert_element_type3A_404, %dot_general3A {dimension_numbers = #tpu.dot_dimension_numbers<[1], [0], [0], [1], [0, 0, 1, 1], [], []>, transpose_lhs_hint = false} : vector<128x512xbf16>, vector<512x512xbf16>, vector<128x512xf32> -> vector<128x512xf32>
      %add3A_694 = vector.broadcast %get3A_409 : vector<1x512xf32> to vector<128x512xf32>
      %add3A_695 = arith.addf %dot_general3A_693, %add3A_694 : vector<128x512xf32>
      %iota3A = tpu.iota {dimensions = array<i32: 0>} : vector<128x1xi32>
      %add3A_696 = vector.broadcast %multiple_of3A : i32 to vector<128x1xi32>
      %add3A_697 = arith.addi %add3A_696, %iota3A : vector<128x1xi32>
      %ge3A = vector.broadcast %get3A_340 : i32 to vector<128x1xi32>
      %ge3A_698 = arith.cmpi sge, %add3A_697, %ge3A : vector<128x1xi32>
      %add3A_699 = arith.addi %get3A_340, %get3A_342 : i32
      %lt3A = vector.broadcast %add3A_699 : i32 to vector<128x1xi32>
      %lt3A_700 = arith.cmpi slt, %add3A_697, %lt3A : vector<128x1xi32>
      %and3A_701 = arith.andi %ge3A_698, %lt3A_700 : vector<128x1xi1>
      %get3A_702 = arith.index_cast %multiple_of3A : i32 to index
      %get3A_703 = arith.constant 0 : index
      %get3A_704 = vector.load %arg6[%get3A_702, %get3A_703] : memref<4096x512xf32, #tpu.memory_space<vmem>>, vector<128x512xf32>
      %broadcast_in_dim3A = vector.shape_cast %and3A_701 : vector<128x1xi1> to vector<128x1xi1>
      %broadcast_in_dim3A_705 = vector.broadcast %broadcast_in_dim3A : vector<128x1xi1> to vector<128x512xi1>
      %select_n3A_706 = arith.select %broadcast_in_dim3A_705, %add3A_695, %get3A_704 : vector<128x512xi1>, vector<128x512xf32>
      %swap3A = arith.index_cast %multiple_of3A : i32 to index
      %swap3A_707 = arith.constant 0 : index
      %swap3A_708 = vector.load %arg6[%swap3A, %swap3A_707] : memref<4096x512xf32, #tpu.memory_space<vmem>>, vector<128x512xf32>
      tpu.vector_store %arg6[%swap3A, %swap3A_707], %select_n3A_706 {strides = array<i32>} : memref<4096x512xf32, #tpu.memory_space<vmem>>, vector<128x512xf32>,
      %while3A_709 = arith.constant 0 : i32
      scf.yield %while3A_709 : i32
    }
    %while3A_420 = arith.constant 1 : i32
    %while3A_421 = scf.for %while3A_683 = %while3A_417 to %while3A_413 step %while3A_420 iter_args(%while3A_684 = %while3A_419) -> (i32)  : i32 {
      %mul3A_685 = arith.constant 128 : i32
      %mul3A_686 = arith.muli %while3A_683, %mul3A_685 : i32
      %add3A_687 = arith.addi %mul3A_368, %mul3A_686 : i32
      %min3A = arith.constant 3968 : i32
      %min3A_688 = arith.minsi %add3A_687, %min3A : i32
      %multiple_of3A = tpu.assume_multiple %min3A_688, 8 : i32
      %get3A_689 = arith.index_cast %multiple_of3A : i32 to index
      %get3A_690 = arith.constant 0 : index
      %get3A_691 = vector.load %arg3[%get3A_689, %get3A_690] : memref<4096x512xf32, #tpu.memory_space<vmem>>, vector<128x512xf32>
      %convert_element_type3A_692 = arith.truncf %get3A_691 : vector<128x512xf32> to vector<128x512xbf16>
      %dot_general3A = arith.constant dense<0.000000e+00> : vector<128x512xf32>
      %dot_general3A_693 = tpu.matmul %convert_element_type3A_692, %convert_element_type3A_404, %dot_general3A {dimension_numbers = #tpu.dot_dimension_numbers<[1], [0], [0], [1], [0, 0, 1, 1], [], []>, transpose_lhs_hint = false} : vector<128x512xbf16>, vector<512x512xbf16>, vector<128x512xf32> -> vector<128x512xf32>
      %add3A_694 = vector.broadcast %get3A_409 : vector<1x512xf32> to vector<128x512xf32>
      %add3A_695 = arith.addf %dot_general3A_693, %add3A_694 : vector<128x512xf32>
      %iota3A = tpu.iota {dimensions = array<i32: 0>} : vector<128x1xi32>
      %add3A_696 = vector.broadcast %multiple_of3A : i32 to vector<128x1xi32>
      %add3A_697 = arith.addi %add3A_696, %iota3A : vector<128x1xi32>
      %ge3A = vector.broadcast %get3A_340 : i32 to vector<128x1xi32>
      %ge3A_698 = arith.cmpi sge, %add3A_697, %ge3A : vector<128x1xi32>
      %add3A_699 = arith.addi %get3A_340, %get3A_342 : i32
      %lt3A = vector.broadcast %add3A_699 : i32 to vector<128x1xi32>
      %lt3A_700 = arith.cmpi slt, %add3A_697, %lt3A : vector<128x1xi32>
      %and3A_701 = arith.andi %ge3A_698, %lt3A_700 : vector<128x1xi1>
      %get3A_702 = arith.index_cast %multiple_of3A : i32 to index
      %get3A_703 = arith.constant 0 : index
      %get3A_704 = vector.load %arg6[%get3A_702, %get3A_703] : memref<4096x512xf32, #tpu.memory_space<vmem>>, vector<128x512xf32>
      %broadcast_in_dim3A = vector.shape_cast %and3A_701 : vector<128x1xi1> to vector<128x1xi1>
      %broadcast_in_dim3A_705 = vector.broadcast %broadcast_in_dim3A : vector<128x1xi1> to vector<128x512xi1>
      %select_n3A_706 = arith.select %broadcast_in_dim3A_705, %add3A_695, %get3A_704 : vector<128x512xi1>, vector<128x512xf32>
      %swap3A = arith.index_cast %multiple_of3A : i32 to index
      %swap3A_707 = arith.constant 0 : index
      %swap3A_708 = vector.load %arg6[%swap3A, %swap3A_707] : memref<4096x512xf32, #tpu.memory_space<vmem>>, vector<128x512xf32>
      tpu.vector_store %arg6[%swap3A, %swap3A_707], %select_n3A_706 {strides = array<i32>} : memref<4096x512xf32, #tpu.memory_space<vmem>>, vector<128x512xf32>,
      %while3A_709 = arith.constant 0 : i32
      scf.yield %while3A_709 : i32
    }
    %mul3A_422 = arith.constant 8 : i32
    %mul3A_423 = arith.muli %arg0, %mul3A_422 : i32
    %add3A_424 = arith.constant 5 : i32
    %add3A_425 = arith.addi %mul3A_423, %add3A_424 : i32
    %get3A_426 = arith.index_cast %add3A_425 : i32 to index
    %get3A_427 = memref.load %arg1[%get3A_426] : memref<64xi32, #tpu.memory_space<smem>>
    %get3A_428 = arith.index_cast %add3A_425 : i32 to index
    %get3A_429 = memref.load %arg2[%get3A_428] : memref<64xi32, #tpu.memory_space<smem>>
    %jit3A_430 = arith.constant 8 : i32
    %div3A_431 = arith.divsi %get3A_427, %jit3A_430 : i32
    %sign3A_432 = arith.constant 0 : i32
    %sign3A_433 = arith.cmpi sgt, %get3A_427, %sign3A_432 : i32
    %sign3A_434 = arith.extui %sign3A_433 : i1 to i32
    %sign3A_435 = arith.constant 0 : i32
    %sign3A_436 = arith.cmpi slt, %get3A_427, %sign3A_435 : i32
    %sign3A_437 = arith.extui %sign3A_436 : i1 to i32
    %sign3A_438 = arith.subi %sign3A_434, %sign3A_437 : i32
    %sign3A_439 = arith.constant 0 : i32
    %sign3A_440 = arith.cmpi sgt, %jit3A_430, %sign3A_439 : i32
    %sign3A_441 = arith.extui %sign3A_440 : i1 to i32
    %sign3A_442 = arith.constant 0 : i32
    %sign3A_443 = arith.cmpi slt, %jit3A_430, %sign3A_442 : i32
    %sign3A_444 = arith.extui %sign3A_443 : i1 to i32
    %sign3A_445 = arith.subi %sign3A_441, %sign3A_444 : i32
    %ne3A_446 = arith.cmpi ne, %sign3A_438, %sign3A_445 : i32
    %rem3A_447 = arith.remsi %get3A_427, %jit3A_430 : i32
    %ne3A_448 = arith.constant 0 : i32
    %ne3A_449 = arith.cmpi ne, %rem3A_447, %ne3A_448 : i32
    %and3A_450 = arith.andi %ne3A_446, %ne3A_449 : i1
    %sub3A_451 = arith.constant 1 : i32
    %sub3A_452 = arith.subi %div3A_431, %sub3A_451 : i32
    %select_n3A_453 = arith.select %and3A_450, %sub3A_452, %div3A_431 : i32
    %mul3A_454 = arith.constant 8 : i32
    %mul3A_455 = arith.muli %select_n3A_453, %mul3A_454 : i32
    %sub3A_456 = arith.subi %get3A_427, %mul3A_455 : i32
    %add3A_457 = arith.addi %get3A_429, %sub3A_456 : i32
    %add3A_458 = arith.constant 128 : i32
    %add3A_459 = arith.addi %add3A_457, %add3A_458 : i32
    %sub3A_460 = arith.constant 1 : i32
    %sub3A_461 = arith.subi %add3A_459, %sub3A_460 : i32
    %jit3A_462 = arith.constant 128 : i32
    %div3A_463 = arith.divsi %sub3A_461, %jit3A_462 : i32
    %sign3A_464 = arith.constant 0 : i32
    %sign3A_465 = arith.cmpi sgt, %sub3A_461, %sign3A_464 : i32
    %sign3A_466 = arith.extui %sign3A_465 : i1 to i32
    %sign3A_467 = arith.constant 0 : i32
    %sign3A_468 = arith.cmpi slt, %sub3A_461, %sign3A_467 : i32
    %sign3A_469 = arith.extui %sign3A_468 : i1 to i32
    %sign3A_470 = arith.subi %sign3A_466, %sign3A_469 : i32
    %sign3A_471 = arith.constant 0 : i32
    %sign3A_472 = arith.cmpi sgt, %jit3A_462, %sign3A_471 : i32
    %sign3A_473 = arith.extui %sign3A_472 : i1 to i32
    %sign3A_474 = arith.constant 0 : i32
    %sign3A_475 = arith.cmpi slt, %jit3A_462, %sign3A_474 : i32
    %sign3A_476 = arith.extui %sign3A_475 : i1 to i32
    %sign3A_477 = arith.subi %sign3A_473, %sign3A_476 : i32
    %ne3A_478 = arith.cmpi ne, %sign3A_470, %sign3A_477 : i32
    %rem3A_479 = arith.remsi %sub3A_461, %jit3A_462 : i32
    %ne3A_480 = arith.constant 0 : i32
    %ne3A_481 = arith.cmpi ne, %rem3A_479, %ne3A_480 : i32
    %and3A_482 = arith.andi %ne3A_478, %ne3A_481 : i1
    %sub3A_483 = arith.constant 1 : i32
    %sub3A_484 = arith.subi %div3A_463, %sub3A_483 : i32
    %select_n3A_485 = arith.select %and3A_482, %sub3A_484, %div3A_463 : i32
    %get3A_486 = arith.constant 5 : index
    %get3A_487 = arith.constant 0 : index
    %get3A_488 = arith.constant 0 : index
    %get3A_489 = vector.load %arg4[%get3A_486, %get3A_487, %get3A_488] : memref<8x512x512xf32, #tpu.memory_space<vmem>>, vector<1x512x512xf32>
    %get3A_490 = vector.shape_cast %get3A_489 : vector<1x512x512xf32> to vector<512x512xf32>
    %convert_element_type3A_491 = arith.truncf %get3A_490 : vector<512x512xf32> to vector<512x512xbf16>
    %get3A_492 = arith.constant 5 : index
    %get3A_493 = arith.constant 0 : index
    %get3A_494 = arith.constant 0 : index
    %get3A_495 = vector.load %arg5[%get3A_492, %get3A_493, %get3A_494] : memref<8x1x512xf32, #tpu.memory_space<vmem>>, vector<1x1x512xf32>
    %get3A_496 = vector.shape_cast %get3A_495 : vector<1x1x512xf32> to vector<1x512xf32>
    %while3A_497 = arith.constant 0 : i32
    %while3A_498 = arith.constant 0 : i32
    %while3A_499 = arith.subi %select_n3A_485, %while3A_497 : i32
    %while3A_500 = arith.addi %while3A_497, %while3A_499 : i32
    %while3A_501 = arith.constant 1 : i32
    %while3A_502 = arith.divsi %while3A_499, %while3A_501 : i32
    %while3A_503 = arith.muli %while3A_502, %while3A_501 : i32
    %while3A_504 = arith.addi %while3A_497, %while3A_503 : i32
    %while3A_505 = arith.constant 1 : i32
    %while3A_506 = scf.for %while3A_683 = %while3A_497 to %while3A_504 step %while3A_505 iter_args(%while3A_684 = %while3A_498) -> (i32)  : i32 {
      %mul3A_685 = arith.constant 128 : i32
      %mul3A_686 = arith.muli %while3A_683, %mul3A_685 : i32
      %add3A_687 = arith.addi %mul3A_455, %mul3A_686 : i32
      %min3A = arith.constant 3968 : i32
      %min3A_688 = arith.minsi %add3A_687, %min3A : i32
      %multiple_of3A = tpu.assume_multiple %min3A_688, 8 : i32
      %get3A_689 = arith.index_cast %multiple_of3A : i32 to index
      %get3A_690 = arith.constant 0 : index
      %get3A_691 = vector.load %arg3[%get3A_689, %get3A_690] : memref<4096x512xf32, #tpu.memory_space<vmem>>, vector<128x512xf32>
      %convert_element_type3A_692 = arith.truncf %get3A_691 : vector<128x512xf32> to vector<128x512xbf16>
      %dot_general3A = arith.constant dense<0.000000e+00> : vector<128x512xf32>
      %dot_general3A_693 = tpu.matmul %convert_element_type3A_692, %convert_element_type3A_491, %dot_general3A {dimension_numbers = #tpu.dot_dimension_numbers<[1], [0], [0], [1], [0, 0, 1, 1], [], []>, transpose_lhs_hint = false} : vector<128x512xbf16>, vector<512x512xbf16>, vector<128x512xf32> -> vector<128x512xf32>
      %add3A_694 = vector.broadcast %get3A_496 : vector<1x512xf32> to vector<128x512xf32>
      %add3A_695 = arith.addf %dot_general3A_693, %add3A_694 : vector<128x512xf32>
      %iota3A = tpu.iota {dimensions = array<i32: 0>} : vector<128x1xi32>
      %add3A_696 = vector.broadcast %multiple_of3A : i32 to vector<128x1xi32>
      %add3A_697 = arith.addi %add3A_696, %iota3A : vector<128x1xi32>
      %ge3A = vector.broadcast %get3A_427 : i32 to vector<128x1xi32>
      %ge3A_698 = arith.cmpi sge, %add3A_697, %ge3A : vector<128x1xi32>
      %add3A_699 = arith.addi %get3A_427, %get3A_429 : i32
      %lt3A = vector.broadcast %add3A_699 : i32 to vector<128x1xi32>
      %lt3A_700 = arith.cmpi slt, %add3A_697, %lt3A : vector<128x1xi32>
      %and3A_701 = arith.andi %ge3A_698, %lt3A_700 : vector<128x1xi1>
      %get3A_702 = arith.index_cast %multiple_of3A : i32 to index
      %get3A_703 = arith.constant 0 : index
      %get3A_704 = vector.load %arg6[%get3A_702, %get3A_703] : memref<4096x512xf32, #tpu.memory_space<vmem>>, vector<128x512xf32>
      %broadcast_in_dim3A = vector.shape_cast %and3A_701 : vector<128x1xi1> to vector<128x1xi1>
      %broadcast_in_dim3A_705 = vector.broadcast %broadcast_in_dim3A : vector<128x1xi1> to vector<128x512xi1>
      %select_n3A_706 = arith.select %broadcast_in_dim3A_705, %add3A_695, %get3A_704 : vector<128x512xi1>, vector<128x512xf32>
      %swap3A = arith.index_cast %multiple_of3A : i32 to index
      %swap3A_707 = arith.constant 0 : index
      %swap3A_708 = vector.load %arg6[%swap3A, %swap3A_707] : memref<4096x512xf32, #tpu.memory_space<vmem>>, vector<128x512xf32>
      tpu.vector_store %arg6[%swap3A, %swap3A_707], %select_n3A_706 {strides = array<i32>} : memref<4096x512xf32, #tpu.memory_space<vmem>>, vector<128x512xf32>,
      %while3A_709 = arith.constant 0 : i32
      scf.yield %while3A_709 : i32
    }
    %while3A_507 = arith.constant 1 : i32
    %while3A_508 = scf.for %while3A_683 = %while3A_504 to %while3A_500 step %while3A_507 iter_args(%while3A_684 = %while3A_506) -> (i32)  : i32 {
      %mul3A_685 = arith.constant 128 : i32
      %mul3A_686 = arith.muli %while3A_683, %mul3A_685 : i32
      %add3A_687 = arith.addi %mul3A_455, %mul3A_686 : i32
      %min3A = arith.constant 3968 : i32
      %min3A_688 = arith.minsi %add3A_687, %min3A : i32
      %multiple_of3A = tpu.assume_multiple %min3A_688, 8 : i32
      %get3A_689 = arith.index_cast %multiple_of3A : i32 to index
      %get3A_690 = arith.constant 0 : index
      %get3A_691 = vector.load %arg3[%get3A_689, %get3A_690] : memref<4096x512xf32, #tpu.memory_space<vmem>>, vector<128x512xf32>
      %convert_element_type3A_692 = arith.truncf %get3A_691 : vector<128x512xf32> to vector<128x512xbf16>
      %dot_general3A = arith.constant dense<0.000000e+00> : vector<128x512xf32>
      %dot_general3A_693 = tpu.matmul %convert_element_type3A_692, %convert_element_type3A_491, %dot_general3A {dimension_numbers = #tpu.dot_dimension_numbers<[1], [0], [0], [1], [0, 0, 1, 1], [], []>, transpose_lhs_hint = false} : vector<128x512xbf16>, vector<512x512xbf16>, vector<128x512xf32> -> vector<128x512xf32>
      %add3A_694 = vector.broadcast %get3A_496 : vector<1x512xf32> to vector<128x512xf32>
      %add3A_695 = arith.addf %dot_general3A_693, %add3A_694 : vector<128x512xf32>
      %iota3A = tpu.iota {dimensions = array<i32: 0>} : vector<128x1xi32>
      %add3A_696 = vector.broadcast %multiple_of3A : i32 to vector<128x1xi32>
      %add3A_697 = arith.addi %add3A_696, %iota3A : vector<128x1xi32>
      %ge3A = vector.broadcast %get3A_427 : i32 to vector<128x1xi32>
      %ge3A_698 = arith.cmpi sge, %add3A_697, %ge3A : vector<128x1xi32>
      %add3A_699 = arith.addi %get3A_427, %get3A_429 : i32
      %lt3A = vector.broadcast %add3A_699 : i32 to vector<128x1xi32>
      %lt3A_700 = arith.cmpi slt, %add3A_697, %lt3A : vector<128x1xi32>
      %and3A_701 = arith.andi %ge3A_698, %lt3A_700 : vector<128x1xi1>
      %get3A_702 = arith.index_cast %multiple_of3A : i32 to index
      %get3A_703 = arith.constant 0 : index
      %get3A_704 = vector.load %arg6[%get3A_702, %get3A_703] : memref<4096x512xf32, #tpu.memory_space<vmem>>, vector<128x512xf32>
      %broadcast_in_dim3A = vector.shape_cast %and3A_701 : vector<128x1xi1> to vector<128x1xi1>
      %broadcast_in_dim3A_705 = vector.broadcast %broadcast_in_dim3A : vector<128x1xi1> to vector<128x512xi1>
      %select_n3A_706 = arith.select %broadcast_in_dim3A_705, %add3A_695, %get3A_704 : vector<128x512xi1>, vector<128x512xf32>
      %swap3A = arith.index_cast %multiple_of3A : i32 to index
      %swap3A_707 = arith.constant 0 : index
      %swap3A_708 = vector.load %arg6[%swap3A, %swap3A_707] : memref<4096x512xf32, #tpu.memory_space<vmem>>, vector<128x512xf32>
      tpu.vector_store %arg6[%swap3A, %swap3A_707], %select_n3A_706 {strides = array<i32>} : memref<4096x512xf32, #tpu.memory_space<vmem>>, vector<128x512xf32>,
      %while3A_709 = arith.constant 0 : i32
      scf.yield %while3A_709 : i32
    }
    %mul3A_509 = arith.constant 8 : i32
    %mul3A_510 = arith.muli %arg0, %mul3A_509 : i32
    %add3A_511 = arith.constant 6 : i32
    %add3A_512 = arith.addi %mul3A_510, %add3A_511 : i32
    %get3A_513 = arith.index_cast %add3A_512 : i32 to index
    %get3A_514 = memref.load %arg1[%get3A_513] : memref<64xi32, #tpu.memory_space<smem>>
    %get3A_515 = arith.index_cast %add3A_512 : i32 to index
    %get3A_516 = memref.load %arg2[%get3A_515] : memref<64xi32, #tpu.memory_space<smem>>
    %jit3A_517 = arith.constant 8 : i32
    %div3A_518 = arith.divsi %get3A_514, %jit3A_517 : i32
    %sign3A_519 = arith.constant 0 : i32
    %sign3A_520 = arith.cmpi sgt, %get3A_514, %sign3A_519 : i32
    %sign3A_521 = arith.extui %sign3A_520 : i1 to i32
    %sign3A_522 = arith.constant 0 : i32
    %sign3A_523 = arith.cmpi slt, %get3A_514, %sign3A_522 : i32
    %sign3A_524 = arith.extui %sign3A_523 : i1 to i32
    %sign3A_525 = arith.subi %sign3A_521, %sign3A_524 : i32
    %sign3A_526 = arith.constant 0 : i32
    %sign3A_527 = arith.cmpi sgt, %jit3A_517, %sign3A_526 : i32
    %sign3A_528 = arith.extui %sign3A_527 : i1 to i32
    %sign3A_529 = arith.constant 0 : i32
    %sign3A_530 = arith.cmpi slt, %jit3A_517, %sign3A_529 : i32
    %sign3A_531 = arith.extui %sign3A_530 : i1 to i32
    %sign3A_532 = arith.subi %sign3A_528, %sign3A_531 : i32
    %ne3A_533 = arith.cmpi ne, %sign3A_525, %sign3A_532 : i32
    %rem3A_534 = arith.remsi %get3A_514, %jit3A_517 : i32
    %ne3A_535 = arith.constant 0 : i32
    %ne3A_536 = arith.cmpi ne, %rem3A_534, %ne3A_535 : i32
    %and3A_537 = arith.andi %ne3A_533, %ne3A_536 : i1
    %sub3A_538 = arith.constant 1 : i32
    %sub3A_539 = arith.subi %div3A_518, %sub3A_538 : i32
    %select_n3A_540 = arith.select %and3A_537, %sub3A_539, %div3A_518 : i32
    %mul3A_541 = arith.constant 8 : i32
    %mul3A_542 = arith.muli %select_n3A_540, %mul3A_541 : i32
    %sub3A_543 = arith.subi %get3A_514, %mul3A_542 : i32
    %add3A_544 = arith.addi %get3A_516, %sub3A_543 : i32
    %add3A_545 = arith.constant 128 : i32
    %add3A_546 = arith.addi %add3A_544, %add3A_545 : i32
    %sub3A_547 = arith.constant 1 : i32
    %sub3A_548 = arith.subi %add3A_546, %sub3A_547 : i32
    %jit3A_549 = arith.constant 128 : i32
    %div3A_550 = arith.divsi %sub3A_548, %jit3A_549 : i32
    %sign3A_551 = arith.constant 0 : i32
    %sign3A_552 = arith.cmpi sgt, %sub3A_548, %sign3A_551 : i32
    %sign3A_553 = arith.extui %sign3A_552 : i1 to i32
    %sign3A_554 = arith.constant 0 : i32
    %sign3A_555 = arith.cmpi slt, %sub3A_548, %sign3A_554 : i32
    %sign3A_556 = arith.extui %sign3A_555 : i1 to i32
    %sign3A_557 = arith.subi %sign3A_553, %sign3A_556 : i32
    %sign3A_558 = arith.constant 0 : i32
    %sign3A_559 = arith.cmpi sgt, %jit3A_549, %sign3A_558 : i32
    %sign3A_560 = arith.extui %sign3A_559 : i1 to i32
    %sign3A_561 = arith.constant 0 : i32
    %sign3A_562 = arith.cmpi slt, %jit3A_549, %sign3A_561 : i32
    %sign3A_563 = arith.extui %sign3A_562 : i1 to i32
    %sign3A_564 = arith.subi %sign3A_560, %sign3A_563 : i32
    %ne3A_565 = arith.cmpi ne, %sign3A_557, %sign3A_564 : i32
    %rem3A_566 = arith.remsi %sub3A_548, %jit3A_549 : i32
    %ne3A_567 = arith.constant 0 : i32
    %ne3A_568 = arith.cmpi ne, %rem3A_566, %ne3A_567 : i32
    %and3A_569 = arith.andi %ne3A_565, %ne3A_568 : i1
    %sub3A_570 = arith.constant 1 : i32
    %sub3A_571 = arith.subi %div3A_550, %sub3A_570 : i32
    %select_n3A_572 = arith.select %and3A_569, %sub3A_571, %div3A_550 : i32
    %get3A_573 = arith.constant 6 : index
    %get3A_574 = arith.constant 0 : index
    %get3A_575 = arith.constant 0 : index
    %get3A_576 = vector.load %arg4[%get3A_573, %get3A_574, %get3A_575] : memref<8x512x512xf32, #tpu.memory_space<vmem>>, vector<1x512x512xf32>
    %get3A_577 = vector.shape_cast %get3A_576 : vector<1x512x512xf32> to vector<512x512xf32>
    %convert_element_type3A_578 = arith.truncf %get3A_577 : vector<512x512xf32> to vector<512x512xbf16>
    %get3A_579 = arith.constant 6 : index
    %get3A_580 = arith.constant 0 : index
    %get3A_581 = arith.constant 0 : index
    %get3A_582 = vector.load %arg5[%get3A_579, %get3A_580, %get3A_581] : memref<8x1x512xf32, #tpu.memory_space<vmem>>, vector<1x1x512xf32>
    %get3A_583 = vector.shape_cast %get3A_582 : vector<1x1x512xf32> to vector<1x512xf32>
    %while3A_584 = arith.constant 0 : i32
    %while3A_585 = arith.constant 0 : i32
    %while3A_586 = arith.subi %select_n3A_572, %while3A_584 : i32
    %while3A_587 = arith.addi %while3A_584, %while3A_586 : i32
    %while3A_588 = arith.constant 1 : i32
    %while3A_589 = arith.divsi %while3A_586, %while3A_588 : i32
    %while3A_590 = arith.muli %while3A_589, %while3A_588 : i32
    %while3A_591 = arith.addi %while3A_584, %while3A_590 : i32
    %while3A_592 = arith.constant 1 : i32
    %while3A_593 = scf.for %while3A_683 = %while3A_584 to %while3A_591 step %while3A_592 iter_args(%while3A_684 = %while3A_585) -> (i32)  : i32 {
      %mul3A_685 = arith.constant 128 : i32
      %mul3A_686 = arith.muli %while3A_683, %mul3A_685 : i32
      %add3A_687 = arith.addi %mul3A_542, %mul3A_686 : i32
      %min3A = arith.constant 3968 : i32
      %min3A_688 = arith.minsi %add3A_687, %min3A : i32
      %multiple_of3A = tpu.assume_multiple %min3A_688, 8 : i32
      %get3A_689 = arith.index_cast %multiple_of3A : i32 to index
      %get3A_690 = arith.constant 0 : index
      %get3A_691 = vector.load %arg3[%get3A_689, %get3A_690] : memref<4096x512xf32, #tpu.memory_space<vmem>>, vector<128x512xf32>
      %convert_element_type3A_692 = arith.truncf %get3A_691 : vector<128x512xf32> to vector<128x512xbf16>
      %dot_general3A = arith.constant dense<0.000000e+00> : vector<128x512xf32>
      %dot_general3A_693 = tpu.matmul %convert_element_type3A_692, %convert_element_type3A_578, %dot_general3A {dimension_numbers = #tpu.dot_dimension_numbers<[1], [0], [0], [1], [0, 0, 1, 1], [], []>, transpose_lhs_hint = false} : vector<128x512xbf16>, vector<512x512xbf16>, vector<128x512xf32> -> vector<128x512xf32>
      %add3A_694 = vector.broadcast %get3A_583 : vector<1x512xf32> to vector<128x512xf32>
      %add3A_695 = arith.addf %dot_general3A_693, %add3A_694 : vector<128x512xf32>
      %iota3A = tpu.iota {dimensions = array<i32: 0>} : vector<128x1xi32>
      %add3A_696 = vector.broadcast %multiple_of3A : i32 to vector<128x1xi32>
      %add3A_697 = arith.addi %add3A_696, %iota3A : vector<128x1xi32>
      %ge3A = vector.broadcast %get3A_514 : i32 to vector<128x1xi32>
      %ge3A_698 = arith.cmpi sge, %add3A_697, %ge3A : vector<128x1xi32>
      %add3A_699 = arith.addi %get3A_514, %get3A_516 : i32
      %lt3A = vector.broadcast %add3A_699 : i32 to vector<128x1xi32>
      %lt3A_700 = arith.cmpi slt, %add3A_697, %lt3A : vector<128x1xi32>
      %and3A_701 = arith.andi %ge3A_698, %lt3A_700 : vector<128x1xi1>
      %get3A_702 = arith.index_cast %multiple_of3A : i32 to index
      %get3A_703 = arith.constant 0 : index
      %get3A_704 = vector.load %arg6[%get3A_702, %get3A_703] : memref<4096x512xf32, #tpu.memory_space<vmem>>, vector<128x512xf32>
      %broadcast_in_dim3A = vector.shape_cast %and3A_701 : vector<128x1xi1> to vector<128x1xi1>
      %broadcast_in_dim3A_705 = vector.broadcast %broadcast_in_dim3A : vector<128x1xi1> to vector<128x512xi1>
      %select_n3A_706 = arith.select %broadcast_in_dim3A_705, %add3A_695, %get3A_704 : vector<128x512xi1>, vector<128x512xf32>
      %swap3A = arith.index_cast %multiple_of3A : i32 to index
      %swap3A_707 = arith.constant 0 : index
      %swap3A_708 = vector.load %arg6[%swap3A, %swap3A_707] : memref<4096x512xf32, #tpu.memory_space<vmem>>, vector<128x512xf32>
      tpu.vector_store %arg6[%swap3A, %swap3A_707], %select_n3A_706 {strides = array<i32>} : memref<4096x512xf32, #tpu.memory_space<vmem>>, vector<128x512xf32>,
      %while3A_709 = arith.constant 0 : i32
      scf.yield %while3A_709 : i32
    }
    %while3A_594 = arith.constant 1 : i32
    %while3A_595 = scf.for %while3A_683 = %while3A_591 to %while3A_587 step %while3A_594 iter_args(%while3A_684 = %while3A_593) -> (i32)  : i32 {
      %mul3A_685 = arith.constant 128 : i32
      %mul3A_686 = arith.muli %while3A_683, %mul3A_685 : i32
      %add3A_687 = arith.addi %mul3A_542, %mul3A_686 : i32
      %min3A = arith.constant 3968 : i32
      %min3A_688 = arith.minsi %add3A_687, %min3A : i32
      %multiple_of3A = tpu.assume_multiple %min3A_688, 8 : i32
      %get3A_689 = arith.index_cast %multiple_of3A : i32 to index
      %get3A_690 = arith.constant 0 : index
      %get3A_691 = vector.load %arg3[%get3A_689, %get3A_690] : memref<4096x512xf32, #tpu.memory_space<vmem>>, vector<128x512xf32>
      %convert_element_type3A_692 = arith.truncf %get3A_691 : vector<128x512xf32> to vector<128x512xbf16>
      %dot_general3A = arith.constant dense<0.000000e+00> : vector<128x512xf32>
      %dot_general3A_693 = tpu.matmul %convert_element_type3A_692, %convert_element_type3A_578, %dot_general3A {dimension_numbers = #tpu.dot_dimension_numbers<[1], [0], [0], [1], [0, 0, 1, 1], [], []>, transpose_lhs_hint = false} : vector<128x512xbf16>, vector<512x512xbf16>, vector<128x512xf32> -> vector<128x512xf32>
      %add3A_694 = vector.broadcast %get3A_583 : vector<1x512xf32> to vector<128x512xf32>
      %add3A_695 = arith.addf %dot_general3A_693, %add3A_694 : vector<128x512xf32>
      %iota3A = tpu.iota {dimensions = array<i32: 0>} : vector<128x1xi32>
      %add3A_696 = vector.broadcast %multiple_of3A : i32 to vector<128x1xi32>
      %add3A_697 = arith.addi %add3A_696, %iota3A : vector<128x1xi32>
      %ge3A = vector.broadcast %get3A_514 : i32 to vector<128x1xi32>
      %ge3A_698 = arith.cmpi sge, %add3A_697, %ge3A : vector<128x1xi32>
      %add3A_699 = arith.addi %get3A_514, %get3A_516 : i32
      %lt3A = vector.broadcast %add3A_699 : i32 to vector<128x1xi32>
      %lt3A_700 = arith.cmpi slt, %add3A_697, %lt3A : vector<128x1xi32>
      %and3A_701 = arith.andi %ge3A_698, %lt3A_700 : vector<128x1xi1>
      %get3A_702 = arith.index_cast %multiple_of3A : i32 to index
      %get3A_703 = arith.constant 0 : index
      %get3A_704 = vector.load %arg6[%get3A_702, %get3A_703] : memref<4096x512xf32, #tpu.memory_space<vmem>>, vector<128x512xf32>
      %broadcast_in_dim3A = vector.shape_cast %and3A_701 : vector<128x1xi1> to vector<128x1xi1>
      %broadcast_in_dim3A_705 = vector.broadcast %broadcast_in_dim3A : vector<128x1xi1> to vector<128x512xi1>
      %select_n3A_706 = arith.select %broadcast_in_dim3A_705, %add3A_695, %get3A_704 : vector<128x512xi1>, vector<128x512xf32>
      %swap3A = arith.index_cast %multiple_of3A : i32 to index
      %swap3A_707 = arith.constant 0 : index
      %swap3A_708 = vector.load %arg6[%swap3A, %swap3A_707] : memref<4096x512xf32, #tpu.memory_space<vmem>>, vector<128x512xf32>
      tpu.vector_store %arg6[%swap3A, %swap3A_707], %select_n3A_706 {strides = array<i32>} : memref<4096x512xf32, #tpu.memory_space<vmem>>, vector<128x512xf32>,
      %while3A_709 = arith.constant 0 : i32
      scf.yield %while3A_709 : i32
    }
    %mul3A_596 = arith.constant 8 : i32
    %mul3A_597 = arith.muli %arg0, %mul3A_596 : i32
    %add3A_598 = arith.constant 7 : i32
    %add3A_599 = arith.addi %mul3A_597, %add3A_598 : i32
    %get3A_600 = arith.index_cast %add3A_599 : i32 to index
    %get3A_601 = memref.load %arg1[%get3A_600] : memref<64xi32, #tpu.memory_space<smem>>
    %get3A_602 = arith.index_cast %add3A_599 : i32 to index
    %get3A_603 = memref.load %arg2[%get3A_602] : memref<64xi32, #tpu.memory_space<smem>>
    %jit3A_604 = arith.constant 8 : i32
    %div3A_605 = arith.divsi %get3A_601, %jit3A_604 : i32
    %sign3A_606 = arith.constant 0 : i32
    %sign3A_607 = arith.cmpi sgt, %get3A_601, %sign3A_606 : i32
    %sign3A_608 = arith.extui %sign3A_607 : i1 to i32
    %sign3A_609 = arith.constant 0 : i32
    %sign3A_610 = arith.cmpi slt, %get3A_601, %sign3A_609 : i32
    %sign3A_611 = arith.extui %sign3A_610 : i1 to i32
    %sign3A_612 = arith.subi %sign3A_608, %sign3A_611 : i32
    %sign3A_613 = arith.constant 0 : i32
    %sign3A_614 = arith.cmpi sgt, %jit3A_604, %sign3A_613 : i32
    %sign3A_615 = arith.extui %sign3A_614 : i1 to i32
    %sign3A_616 = arith.constant 0 : i32
    %sign3A_617 = arith.cmpi slt, %jit3A_604, %sign3A_616 : i32
    %sign3A_618 = arith.extui %sign3A_617 : i1 to i32
    %sign3A_619 = arith.subi %sign3A_615, %sign3A_618 : i32
    %ne3A_620 = arith.cmpi ne, %sign3A_612, %sign3A_619 : i32
    %rem3A_621 = arith.remsi %get3A_601, %jit3A_604 : i32
    %ne3A_622 = arith.constant 0 : i32
    %ne3A_623 = arith.cmpi ne, %rem3A_621, %ne3A_622 : i32
    %and3A_624 = arith.andi %ne3A_620, %ne3A_623 : i1
    %sub3A_625 = arith.constant 1 : i32
    %sub3A_626 = arith.subi %div3A_605, %sub3A_625 : i32
    %select_n3A_627 = arith.select %and3A_624, %sub3A_626, %div3A_605 : i32
    %mul3A_628 = arith.constant 8 : i32
    %mul3A_629 = arith.muli %select_n3A_627, %mul3A_628 : i32
    %sub3A_630 = arith.subi %get3A_601, %mul3A_629 : i32
    %add3A_631 = arith.addi %get3A_603, %sub3A_630 : i32
    %add3A_632 = arith.constant 128 : i32
    %add3A_633 = arith.addi %add3A_631, %add3A_632 : i32
    %sub3A_634 = arith.constant 1 : i32
    %sub3A_635 = arith.subi %add3A_633, %sub3A_634 : i32
    %jit3A_636 = arith.constant 128 : i32
    %div3A_637 = arith.divsi %sub3A_635, %jit3A_636 : i32
    %sign3A_638 = arith.constant 0 : i32
    %sign3A_639 = arith.cmpi sgt, %sub3A_635, %sign3A_638 : i32
    %sign3A_640 = arith.extui %sign3A_639 : i1 to i32
    %sign3A_641 = arith.constant 0 : i32
    %sign3A_642 = arith.cmpi slt, %sub3A_635, %sign3A_641 : i32
    %sign3A_643 = arith.extui %sign3A_642 : i1 to i32
    %sign3A_644 = arith.subi %sign3A_640, %sign3A_643 : i32
    %sign3A_645 = arith.constant 0 : i32
    %sign3A_646 = arith.cmpi sgt, %jit3A_636, %sign3A_645 : i32
    %sign3A_647 = arith.extui %sign3A_646 : i1 to i32
    %sign3A_648 = arith.constant 0 : i32
    %sign3A_649 = arith.cmpi slt, %jit3A_636, %sign3A_648 : i32
    %sign3A_650 = arith.extui %sign3A_649 : i1 to i32
    %sign3A_651 = arith.subi %sign3A_647, %sign3A_650 : i32
    %ne3A_652 = arith.cmpi ne, %sign3A_644, %sign3A_651 : i32
    %rem3A_653 = arith.remsi %sub3A_635, %jit3A_636 : i32
    %ne3A_654 = arith.constant 0 : i32
    %ne3A_655 = arith.cmpi ne, %rem3A_653, %ne3A_654 : i32
    %and3A_656 = arith.andi %ne3A_652, %ne3A_655 : i1
    %sub3A_657 = arith.constant 1 : i32
    %sub3A_658 = arith.subi %div3A_637, %sub3A_657 : i32
    %select_n3A_659 = arith.select %and3A_656, %sub3A_658, %div3A_637 : i32
    %get3A_660 = arith.constant 7 : index
    %get3A_661 = arith.constant 0 : index
    %get3A_662 = arith.constant 0 : index
    %get3A_663 = vector.load %arg4[%get3A_660, %get3A_661, %get3A_662] : memref<8x512x512xf32, #tpu.memory_space<vmem>>, vector<1x512x512xf32>
    %get3A_664 = vector.shape_cast %get3A_663 : vector<1x512x512xf32> to vector<512x512xf32>
    %convert_element_type3A_665 = arith.truncf %get3A_664 : vector<512x512xf32> to vector<512x512xbf16>
    %get3A_666 = arith.constant 7 : index
    %get3A_667 = arith.constant 0 : index
    %get3A_668 = arith.constant 0 : index
    %get3A_669 = vector.load %arg5[%get3A_666, %get3A_667, %get3A_668] : memref<8x1x512xf32, #tpu.memory_space<vmem>>, vector<1x1x512xf32>
    %get3A_670 = vector.shape_cast %get3A_669 : vector<1x1x512xf32> to vector<1x512xf32>
    %while3A_671 = arith.constant 0 : i32
    %while3A_672 = arith.constant 0 : i32
    %while3A_673 = arith.subi %select_n3A_659, %while3A_671 : i32
    %while3A_674 = arith.addi %while3A_671, %while3A_673 : i32
    %while3A_675 = arith.constant 1 : i32
    %while3A_676 = arith.divsi %while3A_673, %while3A_675 : i32
    %while3A_677 = arith.muli %while3A_676, %while3A_675 : i32
    %while3A_678 = arith.addi %while3A_671, %while3A_677 : i32
    %while3A_679 = arith.constant 1 : i32
    %while3A_680 = scf.for %while3A_683 = %while3A_671 to %while3A_678 step %while3A_679 iter_args(%while3A_684 = %while3A_672) -> (i32)  : i32 {
      %mul3A_685 = arith.constant 128 : i32
      %mul3A_686 = arith.muli %while3A_683, %mul3A_685 : i32
      %add3A_687 = arith.addi %mul3A_629, %mul3A_686 : i32
      %min3A = arith.constant 3968 : i32
      %min3A_688 = arith.minsi %add3A_687, %min3A : i32
      %multiple_of3A = tpu.assume_multiple %min3A_688, 8 : i32
      %get3A_689 = arith.index_cast %multiple_of3A : i32 to index
      %get3A_690 = arith.constant 0 : index
      %get3A_691 = vector.load %arg3[%get3A_689, %get3A_690] : memref<4096x512xf32, #tpu.memory_space<vmem>>, vector<128x512xf32>
      %convert_element_type3A_692 = arith.truncf %get3A_691 : vector<128x512xf32> to vector<128x512xbf16>
      %dot_general3A = arith.constant dense<0.000000e+00> : vector<128x512xf32>
      %dot_general3A_693 = tpu.matmul %convert_element_type3A_692, %convert_element_type3A_665, %dot_general3A {dimension_numbers = #tpu.dot_dimension_numbers<[1], [0], [0], [1], [0, 0, 1, 1], [], []>, transpose_lhs_hint = false} : vector<128x512xbf16>, vector<512x512xbf16>, vector<128x512xf32> -> vector<128x512xf32>
      %add3A_694 = vector.broadcast %get3A_670 : vector<1x512xf32> to vector<128x512xf32>
      %add3A_695 = arith.addf %dot_general3A_693, %add3A_694 : vector<128x512xf32>
      %iota3A = tpu.iota {dimensions = array<i32: 0>} : vector<128x1xi32>
      %add3A_696 = vector.broadcast %multiple_of3A : i32 to vector<128x1xi32>
      %add3A_697 = arith.addi %add3A_696, %iota3A : vector<128x1xi32>
      %ge3A = vector.broadcast %get3A_601 : i32 to vector<128x1xi32>
      %ge3A_698 = arith.cmpi sge, %add3A_697, %ge3A : vector<128x1xi32>
      %add3A_699 = arith.addi %get3A_601, %get3A_603 : i32
      %lt3A = vector.broadcast %add3A_699 : i32 to vector<128x1xi32>
      %lt3A_700 = arith.cmpi slt, %add3A_697, %lt3A : vector<128x1xi32>
      %and3A_701 = arith.andi %ge3A_698, %lt3A_700 : vector<128x1xi1>
      %get3A_702 = arith.index_cast %multiple_of3A : i32 to index
      %get3A_703 = arith.constant 0 : index
      %get3A_704 = vector.load %arg6[%get3A_702, %get3A_703] : memref<4096x512xf32, #tpu.memory_space<vmem>>, vector<128x512xf32>
      %broadcast_in_dim3A = vector.shape_cast %and3A_701 : vector<128x1xi1> to vector<128x1xi1>
      %broadcast_in_dim3A_705 = vector.broadcast %broadcast_in_dim3A : vector<128x1xi1> to vector<128x512xi1>
      %select_n3A_706 = arith.select %broadcast_in_dim3A_705, %add3A_695, %get3A_704 : vector<128x512xi1>, vector<128x512xf32>
      %swap3A = arith.index_cast %multiple_of3A : i32 to index
      %swap3A_707 = arith.constant 0 : index
      %swap3A_708 = vector.load %arg6[%swap3A, %swap3A_707] : memref<4096x512xf32, #tpu.memory_space<vmem>>, vector<128x512xf32>
      tpu.vector_store %arg6[%swap3A, %swap3A_707], %select_n3A_706 {strides = array<i32>} : memref<4096x512xf32, #tpu.memory_space<vmem>>, vector<128x512xf32>,
      %while3A_709 = arith.constant 0 : i32
      scf.yield %while3A_709 : i32
    }
    %while3A_681 = arith.constant 1 : i32
    %while3A_682 = scf.for %while3A_683 = %while3A_678 to %while3A_674 step %while3A_681 iter_args(%while3A_684 = %while3A_680) -> (i32)  : i32 {
      %mul3A_685 = arith.constant 128 : i32
      %mul3A_686 = arith.muli %while3A_683, %mul3A_685 : i32
      %add3A_687 = arith.addi %mul3A_629, %mul3A_686 : i32
      %min3A = arith.constant 3968 : i32
      %min3A_688 = arith.minsi %add3A_687, %min3A : i32
      %multiple_of3A = tpu.assume_multiple %min3A_688, 8 : i32
      %get3A_689 = arith.index_cast %multiple_of3A : i32 to index
      %get3A_690 = arith.constant 0 : index
      %get3A_691 = vector.load %arg3[%get3A_689, %get3A_690] : memref<4096x512xf32, #tpu.memory_space<vmem>>, vector<128x512xf32>
      %convert_element_type3A_692 = arith.truncf %get3A_691 : vector<128x512xf32> to vector<128x512xbf16>
      %dot_general3A = arith.constant dense<0.000000e+00> : vector<128x512xf32>
      %dot_general3A_693 = tpu.matmul %convert_element_type3A_692, %convert_element_type3A_665, %dot_general3A {dimension_numbers = #tpu.dot_dimension_numbers<[1], [0], [0], [1], [0, 0, 1, 1], [], []>, transpose_lhs_hint = false} : vector<128x512xbf16>, vector<512x512xbf16>, vector<128x512xf32> -> vector<128x512xf32>
      %add3A_694 = vector.broadcast %get3A_670 : vector<1x512xf32> to vector<128x512xf32>
      %add3A_695 = arith.addf %dot_general3A_693, %add3A_694 : vector<128x512xf32>
      %iota3A = tpu.iota {dimensions = array<i32: 0>} : vector<128x1xi32>
      %add3A_696 = vector.broadcast %multiple_of3A : i32 to vector<128x1xi32>
      %add3A_697 = arith.addi %add3A_696, %iota3A : vector<128x1xi32>
      %ge3A = vector.broadcast %get3A_601 : i32 to vector<128x1xi32>
      %ge3A_698 = arith.cmpi sge, %add3A_697, %ge3A : vector<128x1xi32>
      %add3A_699 = arith.addi %get3A_601, %get3A_603 : i32
      %lt3A = vector.broadcast %add3A_699 : i32 to vector<128x1xi32>
      %lt3A_700 = arith.cmpi slt, %add3A_697, %lt3A : vector<128x1xi32>
      %and3A_701 = arith.andi %ge3A_698, %lt3A_700 : vector<128x1xi1>
      %get3A_702 = arith.index_cast %multiple_of3A : i32 to index
      %get3A_703 = arith.constant 0 : index
      %get3A_704 = vector.load %arg6[%get3A_702, %get3A_703] : memref<4096x512xf32, #tpu.memory_space<vmem>>, vector<128x512xf32>
      %broadcast_in_dim3A = vector.shape_cast %and3A_701 : vector<128x1xi1> to vector<128x1xi1>
      %broadcast_in_dim3A_705 = vector.broadcast %broadcast_in_dim3A : vector<128x1xi1> to vector<128x512xi1>
      %select_n3A_706 = arith.select %broadcast_in_dim3A_705, %add3A_695, %get3A_704 : vector<128x512xi1>, vector<128x512xf32>
      %swap3A = arith.index_cast %multiple_of3A : i32 to index
      %swap3A_707 = arith.constant 0 : index
      %swap3A_708 = vector.load %arg6[%swap3A, %swap3A_707] : memref<4096x512xf32, #tpu.memory_space<vmem>>, vector<128x512xf32>
      tpu.vector_store %arg6[%swap3A, %swap3A_707], %select_n3A_706 {strides = array<i32>} : memref<4096x512xf32, #tpu.memory_space<vmem>>, vector<128x512xf32>,
      %while3A_709 = arith.constant 0 : i32
      scf.yield %while3A_709 : i32
    }
    return
  }
  func.func @transform_0(%arg0: i32, %arg1: memref<64xi32, #tpu.memory_space<smem>>, %arg2: memref<64xi32, #tpu.memory_space<smem>>) -> (i32, i32) {
    %c0_i32 = arith.constant 0 : i32
    %c0_i32_0 = arith.constant 0 : i32
    %c0_i32_1 = arith.constant 0 : i32
    return %c0_i32, %c0_i32_0 : i32, i32
  }
  func.func @transform_1(%arg0: i32, %arg1: memref<64xi32, #tpu.memory_space<smem>>, %arg2: memref<64xi32, #tpu.memory_space<smem>>) -> (i32, i32, i32) {
    %c0_i32 = arith.constant 0 : i32
    %c0_i32_0 = arith.constant 0 : i32
    %c0_i32_1 = arith.constant 0 : i32
    return %arg0, %c0_i32, %c0_i32_0 : i32, i32, i32
  }
  func.func @transform_2(%arg0: i32, %arg1: memref<64xi32, #tpu.memory_space<smem>>, %arg2: memref<64xi32, #tpu.memory_space<smem>>) -> (i32, i32, i32) {
    %c0_i32 = arith.constant 0 : i32
    %c0_i32_0 = arith.constant 0 : i32
    %c0_i32_1 = arith.constant 0 : i32
    return %arg0, %c0_i32, %c0_i32_0 : i32, i32, i32
  }
  func.func @transform_3(%arg0: i32, %arg1: memref<64xi32, #tpu.memory_space<smem>>, %arg2: memref<64xi32, #tpu.memory_space<smem>>) -> (i32, i32) {
    %c0_i32 = arith.constant 0 : i32
    %c0_i32_0 = arith.constant 0 : i32
    %c0_i32_1 = arith.constant 0 : i32
    return %c0_i32, %c0_i32_0 : i32, i32
  }
}

module attributes {stable_mosaic.version = 14 : i64} {
  func.func @_stage3_body(%arg0: i32, %arg1: memref<1024x512xf32, #tpu.memory_space<vmem>>, %arg2: memref<1024x1xf32, #tpu.memory_space<vmem>>, %arg3: memref<1024x512xf32, #tpu.memory_space<vmem>>, %arg4: memref<512x1024xf32, #tpu.memory_space<vmem>>, %arg5: memref<1x1024xf32, #tpu.memory_space<vmem>>, %arg6: memref<1024x1024xf32, #tpu.memory_space<vmem>>) attributes {dimension_semantics = [#tpu.dimension_semantics<arbitrary>], iteration_bounds = array<i64: 4>, scalar_prefetch = 0 : i64, scratch_operands = 0 : i64, tpu.core_type = #tpu.core_type<tc>, window_params = [{transform_indices = @transform_0, window_bounds = array<i64: 1024, 512>}, {transform_indices = @transform_1, window_bounds = array<i64: 1024, 1>}, {transform_indices = @transform_2, window_bounds = array<i64: 1024, 512>}, {pipeline_mode = #tpu.pipeline_mode<synchronous>, transform_indices = @transform_3, window_bounds = array<i64: 512, 1024>}, {pipeline_mode = #tpu.pipeline_mode<synchronous>, transform_indices = @transform_4, window_bounds = array<i64: 1, 1024>}, {transform_indices = @transform_5, window_bounds = array<i64: 1024, 1024>}]} {
    %get3A = arith.constant 0 : index
    %get3A_0 = arith.constant 0 : index
    %get3A_1 = vector.load %arg1[%get3A, %get3A_0] : memref<1024x512xf32, #tpu.memory_space<vmem>>, vector<1024x512xf32>
    %get3A_2 = arith.constant 0 : index
    %get3A_3 = arith.constant 0 : index
    %get3A_4 = vector.load %arg2[%get3A_2, %get3A_3] : memref<1024x1xf32, #tpu.memory_space<vmem>>, vector<1024x1xf32>
    %mul3A = vector.broadcast %get3A_4 : vector<1024x1xf32> to vector<1024x512xf32>
    %mul3A_5 = arith.mulf %get3A_1, %mul3A : vector<1024x512xf32>
    %get3A_6 = arith.constant 0 : index
    %get3A_7 = arith.constant 0 : index
    %get3A_8 = vector.load %arg3[%get3A_6, %get3A_7] : memref<1024x512xf32, #tpu.memory_space<vmem>>, vector<1024x512xf32>
    %add3A = arith.addf %mul3A_5, %get3A_8 : vector<1024x512xf32>
    %get3A_9 = arith.constant 0 : index
    %get3A_10 = arith.constant 0 : index
    %get3A_11 = vector.load %arg4[%get3A_9, %get3A_10] : memref<512x1024xf32, #tpu.memory_space<vmem>>, vector<512x1024xf32>
    %dot_general3A = arith.constant dense<0.000000e+00> : vector<1024x1024xf32>
    %dot_general3A_12 = tpu.matmul %add3A, %get3A_11, %dot_general3A {dimension_numbers = #tpu.dot_dimension_numbers<[1], [0], [0], [1], [0, 0, 1, 1], [], []>, transpose_lhs_hint = false} : vector<1024x512xf32>, vector<512x1024xf32>, vector<1024x1024xf32> -> vector<1024x1024xf32>
    %get3A_13 = arith.constant 0 : index
    %get3A_14 = arith.constant 0 : index
    %get3A_15 = vector.load %arg5[%get3A_13, %get3A_14] : memref<1x1024xf32, #tpu.memory_space<vmem>>, vector<1x1024xf32>
    %add3A_16 = vector.broadcast %get3A_15 : vector<1x1024xf32> to vector<1024x1024xf32>
    %add3A_17 = arith.addf %dot_general3A_12, %add3A_16 : vector<1024x1024xf32>
    %swap3A = arith.constant 0 : index
    %swap3A_18 = arith.constant 0 : index
    %swap3A_19 = vector.load %arg6[%swap3A, %swap3A_18] : memref<1024x1024xf32, #tpu.memory_space<vmem>>, vector<1024x1024xf32>
    tpu.vector_store %arg6[%swap3A, %swap3A_18], %add3A_17 {strides = array<i32>} : memref<1024x1024xf32, #tpu.memory_space<vmem>>, vector<1024x1024xf32>,
    return
  }
  func.func @transform_0(%arg0: i32) -> (i32, i32) {
    %c0_i32 = arith.constant 0 : i32
    %c0_i32_0 = arith.constant 0 : i32
    return %arg0, %c0_i32 : i32, i32
  }
  func.func @transform_1(%arg0: i32) -> (i32, i32) {
    %c0_i32 = arith.constant 0 : i32
    %c0_i32_0 = arith.constant 0 : i32
    return %arg0, %c0_i32 : i32, i32
  }
  func.func @transform_2(%arg0: i32) -> (i32, i32) {
    %c0_i32 = arith.constant 0 : i32
    %c0_i32_0 = arith.constant 0 : i32
    return %arg0, %c0_i32 : i32, i32
  }
  func.func @transform_3(%arg0: i32) -> (i32, i32) {
    %c0_i32 = arith.constant 0 : i32
    %c0_i32_0 = arith.constant 0 : i32
    %c0_i32_1 = arith.constant 0 : i32
    return %c0_i32, %c0_i32_0 : i32, i32
  }
  func.func @transform_4(%arg0: i32) -> (i32, i32) {
    %c0_i32 = arith.constant 0 : i32
    %c0_i32_0 = arith.constant 0 : i32
    %c0_i32_1 = arith.constant 0 : i32
    return %c0_i32, %c0_i32_0 : i32, i32
  }
  func.func @transform_5(%arg0: i32) -> (i32, i32) {
    %c0_i32 = arith.constant 0 : i32
    %c0_i32_0 = arith.constant 0 : i32
    return %arg0, %c0_i32 : i32, i32
  }
}

</mosaic_0001>

<sc_bundles>
// kernel: kernel.10.cloned.1.call-start
scs
__scs_entry_jumppad:
0x0: {  	(pc) =	sbr.rel $0x88, $3  }
0x1: {  	(tag) =	ssettag $0x0;
	lr =	simm.s32 $0x1  }
0x2: {  	[smem:$0x3F95] =	sst lr;
	_ =	strace $0xD0000000  }
0x3: {  	_ = 	snop  }
0x4: {  	_ = 	snop  }
0x5: {  	_ = 	snop  }
0x6: {  	_ = 	snop  }
0x7: {  	_ = 	snop  }
__scs_overlays_trampoline_lowered:
0x8: {  	[smem:$0x3FA4] =	sst s0  }
0x9: {  	[smem:$0x3FA5] =	sst s1  }
0xa: {  	[smem:$0x3FA6] =	sst s2  }
0xb: {  	[smem:$0x3FA7] =	sst s3  }
0xc: {  	[smem:$0x3FA8] =	sst s4  }
0xd: {  	[smem:$0x3FA9] =	sst s5  }
0xe: {  	[smem:$0x3FAA] =	sst s6  }
0xf: {  	[smem:$0x3FAB] =	sst s7  }
0x10: {  	[smem:$0x3FAC] =	sst s8  }
0x11: {  	[smem:$0x3FAD] =	sst s9;
	s0 =	simm.s32 @!p0 $0x0  }
0x12: {  	s1 =	sld [smem:$0x3F93];
	s0 =	simm.s32 @p0 $0x1  }
0x13: {  	[smem:$0x3FAE] =	sst s0;
	s0 =	simm.s32 @!p1 $0x0  }
0x14: {  	s2 =	sld [smem:$0x3F92];
	s0 =	simm.s32 @p1 $0x1  }
0x15: {  	[smem:$0x3FAF] =	sst s0;
	s0 =	simm.s32 @!p2 $0x0  }
0x16: {  	s3 =	sld [smem:$0x3FDB];
	s0 =	simm.s32 @p2 $0x1  }
0x17: {  	s4 =	simm.s32 $0x1BF5;
	[smem:$0x3FB1] =	sst s0  }
0x18: {  	s0 =	sld [smem:$0x3F94];
	_ =	swait.ge [sflag:s4], $0x0  }
0x19: {  	s7 =	sld [smem:$0x3F95]  }
0x1a: {  	s8 =	sadd.s32 $0xFFFFE003, lr  }
0x1b: {  	s9 =	sadd.s32 $0xFFFFFEF7, lr;
	s5 =	simm.s32 $0xFFFFFFFF;
	p2 =	slt.u32 s8, $0xFFFFF086  }
0x1c: {  	p1 =	slt.u32 s9, $0xF7A;
	s5 =	simm.s32 @!p2 $0x0  }
0x1d: {  	s5 =	simm.s32 @p1 $0x1;
	p0 =	seq.s32 s7, s2  }
0x1e: {  	s7 =	smul.u32 @!p0 $0xF7A, s2;
	p2 =	seq.s32 @!p0 s5, $0x0  }
0x1f: {  	s9 =	smul.u32 $0xF7A, s1;
	s8 =	simm.s32 @!p0 $0x1BF5;
	p2 =	por !p2, p0  }
0x20: {  	[sflag:s8] =	ssyncset.s32 @!p0 $0xFFFFF086;
	s6 =	sadd.s32 @!p0 s3, s7;
	s7 =	simm.s32 @!p0 $0x108  }
0x21: {  	s3 =	sadd.s32 s3, s9;
	s6 =	sadd.s32 @!p0 $0x88, s6;
	s7 =	simm.s32 @p2 $0x1082  }
0x22: {  	[simem:s7], [sflag:s8] =	dma.local @!p0 [hbm:s6], $0xF7A  }
0x23: {  	s9 =	sor.u32 $0xD0000000, s2;
	s6 =	simm.s32 $0x108;
	_ =	swait.ge @!p0 [sflag:s8], $0x0  }
0x24: {  	s3 =	sadd.s32 $0x88, s3;
	s6 =	simm.s32 @!p1 $0x1082;
	[sflag:s4] =	ssyncset.s32 $0xFFFFF086  }
0x25: {  	[simem:s6], [sflag:s4] =	dma.local [hbm:s3], $0xF7A  }
0x26: {  	[smem:$0x3F95] =	sst s1;
	(tag) =	ssettag s2;
	_ =	strace s9  }
0x27: {  	s1 =	sld [smem:$0x3FA5]  }
0x28: {  	s2 =	sld [smem:$0x3FA6]  }
0x29: {  	s4 =	sld [smem:$0x3FA8]  }
0x2a: {  	p0 =	seq.s32 s5, $0x0;
	s5 =	sld [smem:$0x3FA9]  }
0x2b: {  	s6 =	sld [smem:$0x3FAA]  }
0x2c: {  	s7 =	sld [smem:$0x3FAB]  }
0x2d: {  	s3 =	simm.s32 $0x108;
	s8 =	sld [smem:$0x3FAC]  }
0x2e: {  	s3 =	simm.s32 @!p0 $0x1082;
	s9 =	sld [smem:$0x3FAD]  }
0x2f: {  	lr =	sadd.s32 s0, s3;
	s0 =	sld [smem:$0x3FA4]  }
0x30: {  	s3 =	sld [smem:$0x3FA7]  }
0x31: {  	[smem:$0x3FB0] =	sst s10  }
0x32: {  	s10 =	sld [smem:$0x3FAE];
	_ =	sdelay $0x3  }
0x33: {  	p0 =	seq.s32 s10, $0x1;
	s10 =	sld [smem:$0x3FB0];
	_ =	sdelay $0x3  }
0x34: {  	[smem:$0x3FB0] =	sst s10  }
0x35: {  	s10 =	sld [smem:$0x3FAF];
	_ =	sdelay $0x3  }
0x36: {  	p1 =	seq.s32 s10, $0x1;
	s10 =	sld [smem:$0x3FB0];
	_ =	sdelay $0x3  }
0x37: {  	[smem:$0x3FB0] =	sst s10  }
0x38: {  	s10 =	sld [smem:$0x3FB1]  }
0x39: {  	_ = 	snop;
	(pc) =	sbr.ind lr, $3  }
0x3a: {  	_ = 	snop  }
0x3b: {  	_ = 	snop  }
0x3c: {  	p2 =	seq.s32 s10, $0x1;
	s10 =	sld [smem:$0x3FB0]  }
0x3d: {  	_ =	shalt  }
0x3e: {  	_ =	shalt  }
0x3f: {  	_ =	shalt  }
0x40: {  	_ =	shalt  }
0x41: {  	_ =	shalt  }
0x42: {  	_ =	shalt  }
0x43: {  	_ =	shalt  }
0x44: {  	_ =	shalt  }
0x45: {  	_ =	shalt  }
0x46: {  	_ =	shalt  }
0x47: {  	_ =	shalt  }
0x48: {  	_ =	shalt  }
0x49: {  	_ =	shalt  }
0x4a: {  	_ =	shalt  }
0x4b: {  	_ =	shalt  }
0x4c: {  	_ =	shalt  }
0x4d: {  	_ =	shalt  }
0x4e: {  	_ =	shalt  }
0x4f: {  	_ =	shalt  }
0x50: {  	_ =	shalt  }
0x51: {  	_ =	shalt  }
0x52: {  	_ =	shalt  }
0x53: {  	_ =	shalt  }
0x54: {  	_ =	shalt  }
0x55: {  	_ =	shalt  }
0x56: {  	_ =	shalt  }
0x57: {  	_ =	shalt  }
0x58: {  	_ =	shalt  }
0x59: {  	_ =	shalt  }
0x5a: {  	_ =	shalt  }
0x5b: {  	_ =	shalt  }
0x5c: {  	_ =	shalt  }
0x5d: {  	_ =	shalt  }
0x5e: {  	_ =	shalt  }
0x5f: {  	_ =	shalt  }
0x60: {  	_ =	shalt  }
0x61: {  	_ =	shalt  }
0x62: {  	_ =	shalt  }
0x63: {  	_ =	shalt  }
0x64: {  	_ =	shalt  }
0x65: {  	_ =	shalt  }
0x66: {  	_ =	shalt  }
0x67: {  	_ =	shalt  }
0x68: {  	_ =	shalt  }
0x69: {  	_ =	shalt  }
0x6a: {  	_ =	shalt  }
0x6b: {  	_ =	shalt  }
0x6c: {  	_ =	shalt  }
0x6d: {  	_ =	shalt  }
0x6e: {  	_ =	shalt  }
0x6f: {  	_ =	shalt  }
0x70: {  	_ =	shalt  }
0x71: {  	_ =	shalt  }
0x72: {  	_ =	shalt  }
0x73: {  	_ =	shalt  }
0x74: {  	_ =	shalt  }
0x75: {  	_ =	shalt  }
0x76: {  	_ =	shalt  }
0x77: {  	_ =	shalt  }
0x78: {  	_ =	shalt  }
0x79: {  	_ =	shalt  }
0x7a: {  	_ =	shalt  }
0x7b: {  	_ =	shalt  }
0x7c: {  	_ =	shalt  }
0x7d: {  	_ =	shalt  }
0x7e: {  	_ =	shalt  }
0x7f: {  	_ =	shalt  }
0x80: {  	_ =	shalt  }
0x81: {  	_ =	shalt  }
0x82: {  	_ =	shalt  }
0x83: {  	_ =	shalt  }
0x84: {  	_ =	shalt  }
0x85: {  	_ =	shalt  }
0x86: {  	_ =	shalt  }
0x87: {  	_ =	shalt  }
.Lfunc_end0:
.L_simem_size_0:
called_computation.1_lowered:
.L_overlay_start_0:
0x88: {  	s2 =	sld [smem:$0x3FD9]  }
0x89: {  	s3 =	sld [smem:$0x3FFE];
	_ =	sdelay $0x1  }
0x8a: {  	s1 =	srdreg.scid  }
0x8b: {  	s0 =	sand.u32 $0x1, s1  }
0x8c: {  	s16 =	sshll.u32 s0, $0xA;
	s2 =	sadd.s32 s3, s2  }
0x8d: {  	s2 =	sadd.s32 s2, s16  }
0x8e: {  	[smem:$0x3FBC] =	sst s2  }
0x8f: {  	_ = 	snop  }
0x90: {  	(tm) =	ssettm $0x1  }
0x91: {  	s17 =	sld [smem:$0x3FFB];
	_ =	sdelay $0x3  }
0x92: {  	_ =	strace s17  }
0x93: {  	s2 =	sld [smem:$0x3FFC];
	_ =	sdelay $0x3  }
0x94: {  	_ =	strace s2  }
0x95: {  	s2 =	sld [smem:$0x3FFD];
	_ =	sdelay $0x3  }
0x96: {  	_ =	strace s2  }
0x97: {  	_ =	strace $0x8FFFFFFF  }
0x98: {  	s18 =	sld [smem:$0x3FDB];
	_ =	sdelay $0x1  }
0x99: {  	s19 =	simm.s32 $_scs_section_size  }
0x9a: {  	s4 =	simm.s32 $_size__tile_overlayer_lowered;
	s5 =	simm.s32 $_tile_overlayer_lowered  }
0x9b: {  	s22 =	simm.s32 $0x1BFF;
	s21 =	sshll.u32 s5, $0x1;
	s2 =	sadd.s32 s19, s18  }
0x9c: {  	s6 =	simm.s32 $0x0;
	s20 =	sshll.u32 s4, $0x1;
	s4 =	sadd.s32 s21, s2  }
0x9d: {  	[timem:s6], [sflag:s22] =	dma.local [hbm:s4], s20  }
0x9e: {  	_ =	swait.ge [sflag:s22], s20  }
0x9f: {  	s3 =	ssub.s32 $0x0, s20;
	[sflag:s22] =	ssyncset.done $0x0  }
0xa0: {  	[sflag:s22] =	ssyncadd.s32 s3;
	_ =	sdelay $0x1  }
0xa1: {  	s23 =	simm.s32 $0x1B8B  }
0xa2: {  	_ =	swait.ge [sflag:s23], $0x1  }
0xa3: {  	[sflag:s23] =	ssyncset.done $0x0  }
0xa4: {  	s25 =	simm.s32 $0x1B8E;
	s24 =	sld [smem:$0x3FFE];
	[sflag:s23] =	ssyncadd.s32 $0xFFFFFFFF  }
0xa5: {  	s26 =	simm.s32 $execute0_lowered;
	[smem:$0x3FD2] =	sst s25  }
0xa6: {  	s4 =	sshll.u32 s26, $0x1;
	_ =	strace $0x80000049;
	[dreg:$0x1] =	wrdreg $0xFFFFFFFF  }
0xa7: {  	s28 =	simm.s32 $_size_execute0_lowered;
	s2 =	sadd.s32 s2, s4;
	[dreg:$0x0] =	wrdreg $0x0  }
0xa8: {  	s4 =	sshll.u32 s28, $0x1;
	[dreg:$0x2] =	wrdreg s2  }
0xa9: {  	[dreg:$0x3] =	wrdreg s4  }
0xaa: {  	[dreg:$0x4] =	wrdreg $0xC0  }
0xab: {  	_ =	task [dreg:s6], $0x5FFFF  }
0xac: {  	[dreg:$0x1] =	wrdreg $0xFFFFFFFF  }
0xad: {  	[dreg:$0x0] =	wrdreg $0x60  }
0xae: {  	[dreg:$0x2] =	wrdreg s24  }
0xaf: {  	[dreg:$0x3] =	wrdreg $0x9  }
0xb0: {  	_ =	task.clear_ibuf [dreg:s6], $0x4FFFF;
	_ =	strace $0x90000049  }
0xb1: {  	s29 =	simm.s32 $0x9;
	_ =	strace $0x8000004B  }
0xb2: {  	_ =	swait.ge [sflag:s29], $0x1  }
0xb3: {  	[sflag:s29] =	ssyncadd.s32 $0xFFFFFFFF  }
0xb4: {  	_ =	strace $0x9000004B  }
0xb5: {  	_ =	sfence  }
0xb6: {  	s30 =	sld [smem:$0x0];
	_ =	sdelay $0x2  }
0xb7: {  	s31 =	sshll.u32 s1, $0xD;
	s1 =	sshrl.u32 s1, $0x2  }
0xb8: {  	s3 =	sand.u32 $0x4000, s31;
	s1 =	sadd.s32 s1, s30  }
0xb9: {  	s0 =	sor.u32 s3, s0;
	s1 =	sshll.u32 s1, $0x11  }
0xba: {  	s0 =	sor.u32 s1, s0  }
0xbb: {  	s0 =	sadd.s32 $0x8F2B, s0  }
0xbc: {  	[sflag:s0] =	ssyncadd.remote.s32 $0x1  }
0xbd: {  	_ =	sfence.sel $0xFFFF  }
0xbe: {  	[dreg:$0x0] =	wrdreg $0xFFFFFFFF;
	(pc) =	sbr.abs _section_cstart, $3  }
0xbf: {  	[dreg:$0x1] =	wrdreg $0xFFFFFFFF  }
0xc0: {  	_ =	task.clear_ibuf [dreg:s6], $0x2FFFF;
	_ =	strace $0x9FFFFFFF  }
0xc1: {  	(tm) =	ssettm $0x7FFFFFFF  }
tec
execute0_lowered:
.L_overlay_start_1:
0x0: {  	(tag) =	ssettag $0x1  }
0x1: {  	s1 =	srdreg.scid;
	s0 =	stileid.u32  }
0x2: {  	s4 =	rddreg [dreg:$0x0];
	s19 =	simm.s32 $0x880;
	s20 =	simm.s32 $0x1080  }
0x3: {  	s21 =	simm.s32 $0x1880;
	s22 =	simm.s32 $0x2080;
	s23 =	simm.s32 $0x2880  }
0x4: {  	s24 =	simm.s32 $0x3080;
	s25 =	simm.s32 $0x3880;
	s26 =	simm.s32 $0x4080  }
0x5: {  	s7 =	simm.s32 $0x80;
	s9 =	simm.s32 $0x5080;
	s10 =	simm.s32 $0x5880  }
0x6: {  	s11 =	simm.s32 $0x6080;
	s12 =	simm.s32 $0x6880;
	s1 =	sand.u32 $0x1, s1  }
0x7: {  	s13 =	simm.s32 $0x7080;
	s2 =	sshll.u32 s0, $0x8;
	s3 =	sshll.u32 s1, $0x7  }
0x8: {  	s14 =	simm.s32 $0x7880;
	s3 =	sor.u32 s3, s2;
	s2 =	simm.s32 $0x0  }
0x9: {  	s15 =	simm.s32 $0x8080;
	s16 =	simm.s32 $0x8880;
	[smem:$0x7FF] =	sst s2  }
0xa: {  	s17 =	simm.s32 $0x9080;
	_ =	strace $0x8000004A;
	[dreg:$0x4] =	wrdreg s19  }
0xb: {  	s18 =	simm.s32 $0x9880;
	s28 =	simm.s32 $0xE080;
	[dreg:$0x5] =	wrdreg s20  }
0xc: {  	s29 =	simm.s32 $0xE880;
	s30 =	simm.s32 $0xF080;
	[dreg:$0x6] =	wrdreg s21  }
0xd: {  	s31 =	simm.s32 $0xF880;
	s1 =	ssub.s32 $0x2, s1;
	[dreg:$0x7] =	wrdreg s22  }
0xe: {  	s6 =	sshrl.u32 s1, $0x1;
	s5 =	sshrl.u32 s3, $0x3;
	[dreg:$0x8] =	wrdreg s23  }
0xf: {  	s3 =	sshll.u32 s3, $0x6;
	s1 =	ssub.s32 s1, s6;
	[dreg:$0x9] =	wrdreg s24  }
0x10: {  	s6 =	simm.s32 $0x2;
	s5 =	sadd.s32 s5, s4;
	[dreg:$0xa] =	wrdreg s25  }
0x11: {  	s3 =	sadd.s32 s3, s4;
	[dreg:$0xb] =	wrdreg s26;
	s19 =	simm.s32 $0xA080  }
0x12: {  	s20 =	simm.s32 $0xA880;
	s21 =	simm.s32 $0xB080;
	s22 =	simm.s32 $0xB880  }
0x13: {  	s23 =	simm.s32 $0xC080;
	s24 =	simm.s32 $0xC880;
	s5 =	sadd.s32 $0x82E00, s5  }
0x14: {  	v2 =	vlaneseq.u32;
	s25 =	simm.s32 $0xD080;
	s3 =	sadd.s32 $0x42800, s3;
	[dreg:$0x2] =	wrdreg s5  }
0x15: {  	vm0 =	vmmov $0xffff;
	v1 =	vshrl.u32 v2, $0x3;
	s26 =	simm.s32 $0xD880;
	[dreg:$0x3] =	wrdreg s3;
	s3 =	sadd.s32 $0x2800, s4  }
0x16: {  	v0 =	vand.u32 $0x7, v2;
	v2 =	vor.u32 $0x8, v2;
	v1 =	vmul.u32 $0x8, v1;
	s4 =	sadd.s32 $0x2900, s4;
	s5 =	smax.u32 s1, $0x1;
	s1 =	simm.s32 $0x1  }
.LBB2_1:
0x17: {  	s0 =	rddreg [dreg:$0x2]  }
0x18: {  	[tilespmem:s2], [sflag:$0x2] =	stream.linear.gather [hbm4b:s0+s2], $0x80, $0x38;
	[tilespmem:$0x10080] =	vst v63  }
0x19: {  	_ =	swait.ge [sflag:s6], $0x80  }
0x1a: {  	[sflag:s6] =	ssyncset.done $0x0  }
0x1b: {  	[sflag:s6] =	ssyncadd.s32 $0xFFFFFF80  }
0x1c: {  	v3 =	vld [tilespmem:$0x0];
	_ =	sdelay $0x4  }
0x1d: {  	v4 =	vshll.u32 v3, $0x2  }
0x1e: {  	v3 =	vand.u32 $0x7, v3;
	v4 =	vand.u32 $0xFFFFFFE0, v4  }
0x1f: {  	v3 =	vor.u32 v3, v4  }
0x20: {  	v4 =	vperm.xlane v3, v0;
	_ =	sdelay $0x1  }
0x21: {  	v4 =	vadd.s32 v1, v4;
	_ =	sdelay $0x1  }
0x22: {  	v3 =	vperm.xlane v3, v2;
	_ =	sdelay $0x1  }
0x23: {  	v3 =	vadd.s32 v1, v3  }
0x24: {  	[tilespmem:s7], [sflag:$0x1] =	stream.indirect_vreg.gather [hbm4b:s3+s2], $0x80, v4, vm0, $0xb8;
	[tilespmem:$0x10080] =	vst v63  }
0x25: {  	s0 =	rddreg [dreg:$0x4]  }
0x26: {  	[tilespmem:s0], [sflag:$0x1] =	stream.indirect_vreg.gather [hbm4b:s4+s2], $0x80, v4, vm0, $0xb8;
	[tilespmem:$0x10080] =	vst v63  }
0x27: {  	s8 =	rddreg [dreg:$0x5]  }
0x28: {  	[tilespmem:s8], [sflag:$0x1] =	stream.indirect_vreg.gather [hbm4b:s3+s2], $0x80, v3, vm0, $0xb8;
	[tilespmem:$0x10080] =	vst v63  }
0x29: {  	s0 =	rddreg [dreg:$0x6]  }
0x2a: {  	[tilespmem:s0], [sflag:$0x1] =	stream.indirect_vreg.gather [hbm4b:s4+s2], $0x80, v3, vm0, $0xb8;
	[tilespmem:$0x10080] =	vst v63  }
0x2b: {  	v3 =	vld [tilespmem:$0x10];
	_ =	sdelay $0x4  }
0x2c: {  	v57 =	vshll.u32 v3, $0x2  }
0x2d: {  	v3 =	vand.u32 $0x7, v3;
	v4 =	vand.u32 $0xFFFFFFE0, v57  }
0x2e: {  	v3 =	vor.u32 v3, v4  }
0x2f: {  	v4 =	vperm.xlane v3, v0;
	_ =	sdelay $0x1  }
0x30: {  	v4 =	vadd.s32 v1, v4;
	_ =	sdelay $0x1  }
0x31: {  	v3 =	vperm.xlane v3, v2;
	_ =	sdelay $0x1  }
0x32: {  	s0 =	rddreg [dreg:$0x7];
	v3 =	vadd.s32 v1, v3  }
0x33: {  	[tilespmem:s0], [sflag:$0x1] =	stream.indirect_vreg.gather [hbm4b:s3+s2], $0x80, v4, vm0, $0xb8;
	[tilespmem:$0x10080] =	vst v63  }
0x34: {  	s8 =	rddreg [dreg:$0x8]  }
0x35: {  	[tilespmem:s8], [sflag:$0x1] =	stream.indirect_vreg.gather [hbm4b:s4+s2], $0x80, v4, vm0, $0xb8;
	[tilespmem:$0x10080] =	vst v63  }
0x36: {  	s0 =	rddreg [dreg:$0x9]  }
0x37: {  	[tilespmem:s0], [sflag:$0x1] =	stream.indirect_vreg.gather [hbm4b:s3+s2], $0x80, v3, vm0, $0xb8;
	[tilespmem:$0x10080] =	vst v63  }
0x38: {  	s8 =	rddreg [dreg:$0xa]  }
0x39: {  	[tilespmem:s8], [sflag:$0x1] =	stream.indirect_vreg.gather [hbm4b:s4+s2], $0x80, v3, vm0, $0xb8;
	[tilespmem:$0x10080] =	vst v63  }
0x3a: {  	v3 =	vld [tilespmem:$0x20];
	_ =	sdelay $0x4  }
0x3b: {  	v58 =	vshll.u32 v3, $0x2  }
0x3c: {  	v3 =	vand.u32 $0x7, v3;
	v4 =	vand.u32 $0xFFFFFFE0, v58  }
0x3d: {  	v3 =	vor.u32 v3, v4  }
0x3e: {  	v4 =	vperm.xlane v3, v0;
	_ =	sdelay $0x1  }
0x3f: {  	v4 =	vadd.s32 v1, v4;
	_ =	sdelay $0x1  }
0x40: {  	v3 =	vperm.xlane v3, v2;
	_ =	sdelay $0x1  }
0x41: {  	s8 =	rddreg [dreg:$0xb];
	v3 =	vadd.s32 v1, v3  }
0x42: {  	[tilespmem:s8], [sflag:$0x1] =	stream.indirect_vreg.gather [hbm4b:s3+s2], $0x80, v4, vm0, $0xb8;
	[tilespmem:$0x10080] =	vst v63  }
0x43: {  	s8 =	simm.s32 $0x4880  }
0x44: {  	[tilespmem:s8], [sflag:$0x1] =	stream.indirect_vreg.gather [hbm4b:s4+s2], $0x80, v4, vm0, $0xb8;
	[tilespmem:$0x10080] =	vst v63  }
0x45: {  	_ = 	snop  }
0x46: {  	[tilespmem:s9], [sflag:$0x1] =	stream.indirect_vreg.gather [hbm4b:s3+s2], $0x80, v3, vm0, $0xb8;
	[tilespmem:$0x10080] =	vst v63  }
0x47: {  	_ = 	snop  }
0x48: {  	[tilespmem:s10], [sflag:$0x1] =	stream.indirect_vreg.gather [hbm4b:s4+s2], $0x80, v3, vm0, $0xb8;
	[tilespmem:$0x10080] =	vst v63  }
0x49: {  	v3 =	vld [tilespmem:$0x30];
	_ =	sdelay $0x4  }
0x4a: {  	v59 =	vshll.u32 v3, $0x2  }
0x4b: {  	v3 =	vand.u32 $0x7, v3;
	v4 =	vand.u32 $0xFFFFFFE0, v59  }
0x4c: {  	v3 =	vor.u32 v3, v4  }
0x4d: {  	v4 =	vperm.xlane v3, v0;
	_ =	sdelay $0x1  }
0x4e: {  	v4 =	vadd.s32 v1, v4;
	_ =	sdelay $0x1  }
0x4f: {  	v3 =	vperm.xlane v3, v2;
	_ =	sdelay $0x1  }
0x50: {  	v3 =	vadd.s32 v1, v3  }
0x51: {  	[tilespmem:s11], [sflag:$0x1] =	stream.indirect_vreg.gather [hbm4b:s3+s2], $0x80, v4, vm0, $0xb8;
	[tilespmem:$0x10080] =	vst v63  }
0x52: {  	_ = 	snop  }
0x53: {  	[tilespmem:s12], [sflag:$0x1] =	stream.indirect_vreg.gather [hbm4b:s4+s2], $0x80, v4, vm0, $0xb8;
	[tilespmem:$0x10080] =	vst v63  }
0x54: {  	_ = 	snop  }
0x55: {  	[tilespmem:s13], [sflag:$0x1] =	stream.indirect_vreg.gather [hbm4b:s3+s2], $0x80, v3, vm0, $0xb8;
	[tilespmem:$0x10080] =	vst v63  }
0x56: {  	_ = 	snop  }
0x57: {  	[tilespmem:s14], [sflag:$0x1] =	stream.indirect_vreg.gather [hbm4b:s4+s2], $0x80, v3, vm0, $0xb8;
	[tilespmem:$0x10080] =	vst v63  }
0x58: {  	v3 =	vld [tilespmem:$0x40];
	_ =	sdelay $0x4  }
0x59: {  	v60 =	vshll.u32 v3, $0x2  }
0x5a: {  	v3 =	vand.u32 $0x7, v3;
	v4 =	vand.u32 $0xFFFFFFE0, v60  }
0x5b: {  	v3 =	vor.u32 v3, v4  }
0x5c: {  	v4 =	vperm.xlane v3, v0;
	_ =	sdelay $0x1  }
0x5d: {  	v4 =	vadd.s32 v1, v4;
	_ =	sdelay $0x1  }
0x5e: {  	v3 =	vperm.xlane v3, v2;
	_ =	sdelay $0x1  }
0x5f: {  	v3 =	vadd.s32 v1, v3  }
0x60: {  	[tilespmem:s15], [sflag:$0x1] =	stream.indirect_vreg.gather [hbm4b:s3+s2], $0x80, v4, vm0, $0xb8;
	[tilespmem:$0x10080] =	vst v63  }
0x61: {  	_ = 	snop  }
0x62: {  	[tilespmem:s16], [sflag:$0x1] =	stream.indirect_vreg.gather [hbm4b:s4+s2], $0x80, v4, vm0, $0xb8;
	[tilespmem:$0x10080] =	vst v63  }
0x63: {  	_ = 	snop  }
0x64: {  	[tilespmem:s17], [sflag:$0x1] =	stream.indirect_vreg.gather [hbm4b:s3+s2], $0x80, v3, vm0, $0xb8;
	[tilespmem:$0x10080] =	vst v63  }
0x65: {  	_ = 	snop  }
0x66: {  	[tilespmem:s18], [sflag:$0x1] =	stream.indirect_vreg.gather [hbm4b:s4+s2], $0x80, v3, vm0, $0xb8;
	[tilespmem:$0x10080] =	vst v63  }
0x67: {  	v3 =	vld [tilespmem:$0x50];
	_ =	sdelay $0x4  }
0x68: {  	v61 =	vshll.u32 v3, $0x2  }
0x69: {  	v3 =	vand.u32 $0x7, v3;
	v4 =	vand.u32 $0xFFFFFFE0, v61  }
0x6a: {  	v3 =	vor.u32 v3, v4  }
0x6b: {  	v4 =	vperm.xlane v3, v0;
	_ =	sdelay $0x1  }
0x6c: {  	v4 =	vadd.s32 v1, v4;
	_ =	sdelay $0x1  }
0x6d: {  	v3 =	vperm.xlane v3, v2;
	_ =	sdelay $0x1  }
0x6e: {  	v3 =	vadd.s32 v1, v3  }
0x6f: {  	[tilespmem:s19], [sflag:$0x1] =	stream.indirect_vreg.gather [hbm4b:s3+s2], $0x80, v4, vm0, $0xb8;
	[tilespmem:$0x10080] =	vst v63  }
0x70: {  	_ = 	snop  }
0x71: {  	[tilespmem:s20], [sflag:$0x1] =	stream.indirect_vreg.gather [hbm4b:s4+s2], $0x80, v4, vm0, $0xb8;
	[tilespmem:$0x10080] =	vst v63  }
0x72: {  	_ = 	snop  }
0x73: {  	[tilespmem:s21], [sflag:$0x1] =	stream.indirect_vreg.gather [hbm4b:s3+s2], $0x80, v3, vm0, $0xb8;
	[tilespmem:$0x10080] =	vst v63  }
0x74: {  	_ = 	snop  }
0x75: {  	[tilespmem:s22], [sflag:$0x1] =	stream.indirect_vreg.gather [hbm4b:s4+s2], $0x80, v3, vm0, $0xb8;
	[tilespmem:$0x10080] =	vst v63  }
0x76: {  	v3 =	vld [tilespmem:$0x60];
	_ =	sdelay $0x4  }
0x77: {  	v62 =	vshll.u32 v3, $0x2  }
0x78: {  	v3 =	vand.u32 $0x7, v3;
	v4 =	vand.u32 $0xFFFFFFE0, v62  }
0x79: {  	v3 =	vor.u32 v3, v4  }
0x7a: {  	v4 =	vperm.xlane v3, v0;
	_ =	sdelay $0x1  }
0x7b: {  	v4 =	vadd.s32 v1, v4;
	_ =	sdelay $0x1  }
0x7c: {  	v3 =	vperm.xlane v3, v2;
	_ =	sdelay $0x1  }
0x7d: {  	v3 =	vadd.s32 v1, v3  }
0x7e: {  	[tilespmem:s23], [sflag:$0x1] =	stream.indirect_vreg.gather [hbm4b:s3+s2], $0x80, v4, vm0, $0xb8;
	[tilespmem:$0x10080] =	vst v63  }
0x7f: {  	_ = 	snop  }
0x80: {  	[tilespmem:s24], [sflag:$0x1] =	stream.indirect_vreg.gather [hbm4b:s4+s2], $0x80, v4, vm0, $0xb8;
	[tilespmem:$0x10080] =	vst v63  }
0x81: {  	_ = 	snop  }
0x82: {  	[tilespmem:s25], [sflag:$0x1] =	stream.indirect_vreg.gather [hbm4b:s3+s2], $0x80, v3, vm0, $0xb8;
	[tilespmem:$0x10080] =	vst v63  }
0x83: {  	_ = 	snop  }
0x84: {  	[tilespmem:s26], [sflag:$0x1] =	stream.indirect_vreg.gather [hbm4b:s4+s2], $0x80, v3, vm0, $0xb8;
	[tilespmem:$0x10080] =	vst v63  }
0x85: {  	v3 =	vld [tilespmem:$0x70];
	_ =	sdelay $0x4  }
0x86: {  	v63 =	vshll.u32 v3, $0x2  }
0x87: {  	v3 =	vand.u32 $0x7, v3;
	v4 =	vand.u32 $0xFFFFFFE0, v63  }
0x88: {  	v3 =	vor.u32 v3, v4  }
0x89: {  	v4 =	vperm.xlane v3, v0;
	_ =	sdelay $0x1  }
0x8a: {  	v4 =	vadd.s32 v1, v4;
	_ =	sdelay $0x1  }
0x8b: {  	v3 =	vperm.xlane v3, v2;
	_ =	sdelay $0x1  }
0x8c: {  	v3 =	vadd.s32 v1, v3  }
0x8d: {  	[tilespmem:s28], [sflag:$0x1] =	stream.indirect_vreg.gather [hbm4b:s3+s2], $0x80, v4, vm0, $0xb8;
	[tilespmem:$0x10080] =	vst v63  }
0x8e: {  	_ = 	snop  }
0x8f: {  	[tilespmem:s29], [sflag:$0x1] =	stream.indirect_vreg.gather [hbm4b:s4+s2], $0x80, v4, vm0, $0xb8;
	[tilespmem:$0x10080] =	vst v63  }
0x90: {  	_ = 	snop  }
0x91: {  	[tilespmem:s30], [sflag:$0x1] =	stream.indirect_vreg.gather [hbm4b:s3+s2], $0x80, v3, vm0, $0xb8;
	[tilespmem:$0x10080] =	vst v63  }
0x92: {  	_ = 	snop  }
0x93: {  	[tilespmem:s31], [sflag:$0x1] =	stream.indirect_vreg.gather [hbm4b:s4+s2], $0x80, v3, vm0, $0xb8;
	[tilespmem:$0x10080] =	vst v63  }
0x94: {  	_ =	swait.ge [sflag:s1], $0x10000  }
0x95: {  	p0 =	sne.s32 s5, $0x1;
	[sflag:s1] =	ssyncset.done $0x0  }
.Ltmp0:
0x96: {  	s8 =	rddreg [dreg:$0x3];
	[sflag:s1] =	ssyncadd.s32 $0xFFFF0000;
	(pc) =	sbr.rel @p0 .LBB2_1-.Ltmp0, $4  }
0x97: {  	[hbm4b:s8+s2] =	stream.linear.scatter [tilespmem:s7], [sflag:$0x2], $0x10000, $0x38;
	[tilespmem:$0x10080] =	vst v63  }
0x98: {  	_ =	swait.ge [sflag:s6], $0x10000  }
0x99: {  	[sflag:s6] =	ssyncset.done $0x0  }
0x9a: {  	s5 =	sadd.s32 $0xFFFFFFFF, s5;
	[sflag:s6] =	ssyncadd.s32 $0xFFFF0000  }
0x9b: {  	_ =	sfence.sel $0x180000  }
0x9c: {  	[bflag:$0x0] =	sbarrier.arrive $0xFFFF  }
0x9d: {  	_ =	strace $0x9000004A  }
0x9e: {  	s0 =	stileid.u32;
	[bflag:$0x2] =	sbarrier.arrive $0xFFFF  }
0x9f: {  	p0 =	sne.s32 s0, $0x0;
	s0 =	rddreg [dreg:$0x1]  }
0xa0: {  	s0 =	sadd.s32 @!p0 $0x100000, s0  }
0xa1: {  	[sflag:s0] =	ssyncadd.tile.s32 @!p0 $0x1;
	_ =	shalt  }
.Lfunc_end2:
_tile_overlayer_lowered:
.L_overlay_start_2:
0xa2: {  	(tag) =	ssettag $0x2  }
0xa3: {  	s0 =	rddreg [dreg:$0x0];
	s2 =	stileid.u32  }
0xa4: {  	s1 =	rddreg [dreg:$0x1];
	p0 =	sne.s32 s2, $0x0  }
0xa5: {  	s3 =	rddreg [dreg:$0x2];
	[bflag:$0x3] =	sbarrier.arrive $0xFFFF;
	s2 =	simm.s32 @!p0 $0x1C02  }
0xa6: {  	[timem:s3], [sflag:s2] =	dma.local @!p0 [hbm:s0], s1  }
0xa7: {  	s0 =	simm.s32 @!p0 $0x2  }
0xa8: {  	_ =	swait.ge @!p0 [sflag:s0], s1  }
0xa9: {  	s1 =	ssub.s32 @!p0 $0x0, s1;
	[sflag:s0] =	ssyncset.done @!p0 $0x0  }
0xaa: {  	[sflag:s0] =	ssyncadd.s32 @!p0 s1  }
0xab: {  	[bflag:$0x3] =	sbarrier.arrive $0xFFFF  }
0xac: {  	_ =	shalt  }

// kernel: kernel.7.cloned.1.call-start
scs
__scs_entry_jumppad:
0x0: {  	(pc) =	sbr.rel $0x88, $3  }
0x1: {  	(tag) =	ssettag $0x0;
	lr =	simm.s32 $0x1  }
0x2: {  	[smem:$0x3F95] =	sst lr;
	_ =	strace $0xD0000000  }
0x3: {  	_ = 	snop  }
0x4: {  	_ = 	snop  }
0x5: {  	_ = 	snop  }
0x6: {  	_ = 	snop  }
0x7: {  	_ = 	snop  }
__scs_overlays_trampoline_lowered:
0x8: {  	[smem:$0x3FA4] =	sst s0  }
0x9: {  	[smem:$0x3FA5] =	sst s1  }
0xa: {  	[smem:$0x3FA6] =	sst s2  }
0xb: {  	[smem:$0x3FA7] =	sst s3  }
0xc: {  	[smem:$0x3FA8] =	sst s4  }
0xd: {  	[smem:$0x3FA9] =	sst s5  }
0xe: {  	[smem:$0x3FAA] =	sst s6  }
0xf: {  	[smem:$0x3FAB] =	sst s7  }
0x10: {  	[smem:$0x3FAC] =	sst s8  }
0x11: {  	[smem:$0x3FAD] =	sst s9;
	s0 =	simm.s32 @!p0 $0x0  }
0x12: {  	s1 =	sld [smem:$0x3F93];
	s0 =	simm.s32 @p0 $0x1  }
0x13: {  	[smem:$0x3FAE] =	sst s0;
	s0 =	simm.s32 @!p1 $0x0  }
0x14: {  	s2 =	sld [smem:$0x3F92];
	s0 =	simm.s32 @p1 $0x1  }
0x15: {  	[smem:$0x3FAF] =	sst s0;
	s0 =	simm.s32 @!p2 $0x0  }
0x16: {  	s3 =	sld [smem:$0x3FDB];
	s0 =	simm.s32 @p2 $0x1  }
0x17: {  	s4 =	simm.s32 $0x1BF5;
	[smem:$0x3FB1] =	sst s0  }
0x18: {  	s0 =	sld [smem:$0x3F94];
	_ =	swait.ge [sflag:s4], $0x0  }
0x19: {  	s7 =	sld [smem:$0x3F95]  }
0x1a: {  	s8 =	sadd.s32 $0xFFFFE003, lr  }
0x1b: {  	s9 =	sadd.s32 $0xFFFFFEF7, lr;
	s5 =	simm.s32 $0xFFFFFFFF;
	p2 =	slt.u32 s8, $0xFFFFF086  }
0x1c: {  	p1 =	slt.u32 s9, $0xF7A;
	s5 =	simm.s32 @!p2 $0x0  }
0x1d: {  	s5 =	simm.s32 @p1 $0x1;
	p0 =	seq.s32 s7, s2  }
0x1e: {  	s7 =	smul.u32 @!p0 $0xF7A, s2;
	p2 =	seq.s32 @!p0 s5, $0x0  }
0x1f: {  	s9 =	smul.u32 $0xF7A, s1;
	s8 =	simm.s32 @!p0 $0x1BF5;
	p2 =	por !p2, p0  }
0x20: {  	[sflag:s8] =	ssyncset.s32 @!p0 $0xFFFFF086;
	s6 =	sadd.s32 @!p0 s3, s7;
	s7 =	simm.s32 @!p0 $0x108  }
0x21: {  	s3 =	sadd.s32 s3, s9;
	s6 =	sadd.s32 @!p0 $0x88, s6;
	s7 =	simm.s32 @p2 $0x1082  }
0x22: {  	[simem:s7], [sflag:s8] =	dma.local @!p0 [hbm:s6], $0xF7A  }
0x23: {  	s9 =	sor.u32 $0xD0000000, s2;
	s6 =	simm.s32 $0x108;
	_ =	swait.ge @!p0 [sflag:s8], $0x0  }
0x24: {  	s3 =	sadd.s32 $0x88, s3;
	s6 =	simm.s32 @!p1 $0x1082;
	[sflag:s4] =	ssyncset.s32 $0xFFFFF086  }
0x25: {  	[simem:s6], [sflag:s4] =	dma.local [hbm:s3], $0xF7A  }
0x26: {  	[smem:$0x3F95] =	sst s1;
	(tag) =	ssettag s2;
	_ =	strace s9  }
0x27: {  	s1 =	sld [smem:$0x3FA5]  }
0x28: {  	s2 =	sld [smem:$0x3FA6]  }
0x29: {  	s4 =	sld [smem:$0x3FA8]  }
0x2a: {  	p0 =	seq.s32 s5, $0x0;
	s5 =	sld [smem:$0x3FA9]  }
0x2b: {  	s6 =	sld [smem:$0x3FAA]  }
0x2c: {  	s7 =	sld [smem:$0x3FAB]  }
0x2d: {  	s3 =	simm.s32 $0x108;
	s8 =	sld [smem:$0x3FAC]  }
0x2e: {  	s3 =	simm.s32 @!p0 $0x1082;
	s9 =	sld [smem:$0x3FAD]  }
0x2f: {  	lr =	sadd.s32 s0, s3;
	s0 =	sld [smem:$0x3FA4]  }
0x30: {  	s3 =	sld [smem:$0x3FA7]  }
0x31: {  	[smem:$0x3FB0] =	sst s10  }
0x32: {  	s10 =	sld [smem:$0x3FAE];
	_ =	sdelay $0x3  }
0x33: {  	p0 =	seq.s32 s10, $0x1;
	s10 =	sld [smem:$0x3FB0];
	_ =	sdelay $0x3  }
0x34: {  	[smem:$0x3FB0] =	sst s10  }
0x35: {  	s10 =	sld [smem:$0x3FAF];
	_ =	sdelay $0x3  }
0x36: {  	p1 =	seq.s32 s10, $0x1;
	s10 =	sld [smem:$0x3FB0];
	_ =	sdelay $0x3  }
0x37: {  	[smem:$0x3FB0] =	sst s10  }
0x38: {  	s10 =	sld [smem:$0x3FB1]  }
0x39: {  	_ = 	snop;
	(pc) =	sbr.ind lr, $3  }
0x3a: {  	_ = 	snop  }
0x3b: {  	_ = 	snop  }
0x3c: {  	p2 =	seq.s32 s10, $0x1;
	s10 =	sld [smem:$0x3FB0]  }
0x3d: {  	_ =	shalt  }
0x3e: {  	_ =	shalt  }
0x3f: {  	_ =	shalt  }
0x40: {  	_ =	shalt  }
0x41: {  	_ =	shalt  }
0x42: {  	_ =	shalt  }
0x43: {  	_ =	shalt  }
0x44: {  	_ =	shalt  }
0x45: {  	_ =	shalt  }
0x46: {  	_ =	shalt  }
0x47: {  	_ =	shalt  }
0x48: {  	_ =	shalt  }
0x49: {  	_ =	shalt  }
0x4a: {  	_ =	shalt  }
0x4b: {  	_ =	shalt  }
0x4c: {  	_ =	shalt  }
0x4d: {  	_ =	shalt  }
0x4e: {  	_ =	shalt  }
0x4f: {  	_ =	shalt  }
0x50: {  	_ =	shalt  }
0x51: {  	_ =	shalt  }
0x52: {  	_ =	shalt  }
0x53: {  	_ =	shalt  }
0x54: {  	_ =	shalt  }
0x55: {  	_ =	shalt  }
0x56: {  	_ =	shalt  }
0x57: {  	_ =	shalt  }
0x58: {  	_ =	shalt  }
0x59: {  	_ =	shalt  }
0x5a: {  	_ =	shalt  }
0x5b: {  	_ =	shalt  }
0x5c: {  	_ =	shalt  }
0x5d: {  	_ =	shalt  }
0x5e: {  	_ =	shalt  }
0x5f: {  	_ =	shalt  }
0x60: {  	_ =	shalt  }
0x61: {  	_ =	shalt  }
0x62: {  	_ =	shalt  }
0x63: {  	_ =	shalt  }
0x64: {  	_ =	shalt  }
0x65: {  	_ =	shalt  }
0x66: {  	_ =	shalt  }
0x67: {  	_ =	shalt  }
0x68: {  	_ =	shalt  }
0x69: {  	_ =	shalt  }
0x6a: {  	_ =	shalt  }
0x6b: {  	_ =	shalt  }
0x6c: {  	_ =	shalt  }
0x6d: {  	_ =	shalt  }
0x6e: {  	_ =	shalt  }
0x6f: {  	_ =	shalt  }
0x70: {  	_ =	shalt  }
0x71: {  	_ =	shalt  }
0x72: {  	_ =	shalt  }
0x73: {  	_ =	shalt  }
0x74: {  	_ =	shalt  }
0x75: {  	_ =	shalt  }
0x76: {  	_ =	shalt  }
0x77: {  	_ =	shalt  }
0x78: {  	_ =	shalt  }
0x79: {  	_ =	shalt  }
0x7a: {  	_ =	shalt  }
0x7b: {  	_ =	shalt  }
0x7c: {  	_ =	shalt  }
0x7d: {  	_ =	shalt  }
0x7e: {  	_ =	shalt  }
0x7f: {  	_ =	shalt  }
0x80: {  	_ =	shalt  }
0x81: {  	_ =	shalt  }
0x82: {  	_ =	shalt  }
0x83: {  	_ =	shalt  }
0x84: {  	_ =	shalt  }
0x85: {  	_ =	shalt  }
0x86: {  	_ =	shalt  }
0x87: {  	_ =	shalt  }
.Lfunc_end0:
.L_simem_size_0:
called_computation_lowered:
.L_overlay_start_0:
0x88: {  	s2 =	sld [smem:$0x3FD9]  }
0x89: {  	s3 =	sld [smem:$0x3FFE];
	_ =	sdelay $0x1  }
0x8a: {  	s1 =	srdreg.scid  }
0x8b: {  	s0 =	sand.u32 $0x1, s1  }
0x8c: {  	s16 =	sshll.u32 s0, $0xA;
	s2 =	sadd.s32 s3, s2  }
0x8d: {  	s2 =	sadd.s32 s2, s16  }
0x8e: {  	[smem:$0x3FBC] =	sst s2  }
0x8f: {  	_ = 	snop  }
0x90: {  	(tm) =	ssettm $0x1  }
0x91: {  	s17 =	sld [smem:$0x3FFB];
	_ =	sdelay $0x3  }
0x92: {  	_ =	strace s17  }
0x93: {  	s2 =	sld [smem:$0x3FFC];
	_ =	sdelay $0x3  }
0x94: {  	_ =	strace s2  }
0x95: {  	s2 =	sld [smem:$0x3FFD];
	_ =	sdelay $0x3  }
0x96: {  	_ =	strace s2  }
0x97: {  	_ =	strace $0x8FFFFFFF  }
0x98: {  	s18 =	sld [smem:$0x3FDB];
	_ =	sdelay $0x1  }
0x99: {  	s19 =	simm.s32 $_scs_section_size  }
0x9a: {  	s4 =	simm.s32 $_size__tile_overlayer_lowered;
	s5 =	simm.s32 $_tile_overlayer_lowered  }
0x9b: {  	s22 =	simm.s32 $0x1BFF;
	s21 =	sshll.u32 s5, $0x1;
	s2 =	sadd.s32 s19, s18  }
0x9c: {  	s6 =	simm.s32 $0x0;
	s20 =	sshll.u32 s4, $0x1;
	s4 =	sadd.s32 s21, s2  }
0x9d: {  	[timem:s6], [sflag:s22] =	dma.local [hbm:s4], s20  }
0x9e: {  	_ =	swait.ge [sflag:s22], s20  }
0x9f: {  	s3 =	ssub.s32 $0x0, s20;
	[sflag:s22] =	ssyncset.done $0x0  }
0xa0: {  	[sflag:s22] =	ssyncadd.s32 s3;
	_ =	sdelay $0x1  }
0xa1: {  	s23 =	simm.s32 $0x1B8B  }
0xa2: {  	_ =	swait.ge [sflag:s23], $0x1  }
0xa3: {  	[sflag:s23] =	ssyncset.done $0x0  }
0xa4: {  	s25 =	simm.s32 $0x1B8E;
	s24 =	sld [smem:$0x3FFE];
	[sflag:s23] =	ssyncadd.s32 $0xFFFFFFFF  }
0xa5: {  	s26 =	simm.s32 $execute0_lowered;
	[smem:$0x3FD2] =	sst s25  }
0xa6: {  	s4 =	sshll.u32 s26, $0x1;
	_ =	strace $0x80000046;
	[dreg:$0x1] =	wrdreg $0xFFFFFFFF  }
0xa7: {  	s28 =	simm.s32 $_size_execute0_lowered;
	s2 =	sadd.s32 s2, s4;
	[dreg:$0x0] =	wrdreg $0x0  }
0xa8: {  	s4 =	sshll.u32 s28, $0x1;
	[dreg:$0x2] =	wrdreg s2  }
0xa9: {  	[dreg:$0x3] =	wrdreg s4  }
0xaa: {  	[dreg:$0x4] =	wrdreg $0xC0  }
0xab: {  	_ =	task [dreg:s6], $0x5FFFF  }
0xac: {  	[dreg:$0x1] =	wrdreg $0xFFFFFFFF  }
0xad: {  	[dreg:$0x0] =	wrdreg $0x60  }
0xae: {  	[dreg:$0x2] =	wrdreg s24  }
0xaf: {  	[dreg:$0x3] =	wrdreg $0x9  }
0xb0: {  	_ =	task.clear_ibuf [dreg:s6], $0x4FFFF;
	_ =	strace $0x90000046  }
0xb1: {  	s29 =	simm.s32 $0x9;
	_ =	strace $0x80000048  }
0xb2: {  	_ =	swait.ge [sflag:s29], $0x1  }
0xb3: {  	[sflag:s29] =	ssyncadd.s32 $0xFFFFFFFF  }
0xb4: {  	_ =	strace $0x90000048  }
0xb5: {  	_ =	sfence  }
0xb6: {  	s30 =	sld [smem:$0x0];
	_ =	sdelay $0x2  }
0xb7: {  	s31 =	sshll.u32 s1, $0xD;
	s1 =	sshrl.u32 s1, $0x2  }
0xb8: {  	s3 =	sand.u32 $0x4000, s31;
	s1 =	sadd.s32 s1, s30  }
0xb9: {  	s0 =	sor.u32 s3, s0;
	s1 =	sshll.u32 s1, $0x11  }
0xba: {  	s0 =	sor.u32 s1, s0  }
0xbb: {  	s0 =	sadd.s32 $0x8F2B, s0  }
0xbc: {  	[sflag:s0] =	ssyncadd.remote.s32 $0x1  }
0xbd: {  	_ =	sfence.sel $0xFFFF  }
0xbe: {  	[dreg:$0x0] =	wrdreg $0xFFFFFFFF;
	(pc) =	sbr.abs _section_cstart, $3  }
0xbf: {  	[dreg:$0x1] =	wrdreg $0xFFFFFFFF  }
0xc0: {  	_ =	task.clear_ibuf [dreg:s6], $0x2FFFF;
	_ =	strace $0x9FFFFFFF  }
0xc1: {  	(tm) =	ssettm $0x7FFFFFFF  }
tec
execute0_lowered:
.L_overlay_start_1:
0x0: {  	(tag) =	ssettag $0x1  }
0x1: {  	s2 =	srdreg.scid  }
0x2: {  	s0 =	rddreg [dreg:$0x0];
	s4 =	sand.u32 $0x1, s2;
	s2 =	simm.s32 $0x0  }
0x3: {  	s6 =	sadd.s32 $0x42800, s0;
	[smem:$0x7FF] =	sst s2  }
0x4: {  	s13 =	simm.s32 $0x100;
	_ =	strace $0x80000047;
	[dreg:$0x2] =	wrdreg s6  }
0x5: {  	s1 =	stileid.u32;
	s14 =	simm.s32 $0xA00;
	[dreg:$0x7] =	wrdreg s13  }
0x6: {  	s15 =	simm.s32 $0x1200;
	s16 =	simm.s32 $0x1A00;
	[dreg:$0x8] =	wrdreg s14  }
0x7: {  	s17 =	simm.s32 $0x2200;
	s18 =	simm.s32 $0x2A00;
	[dreg:$0x9] =	wrdreg s15  }
0x8: {  	s20 =	simm.s32 $0x3200;
	s21 =	simm.s32 $0x3A00;
	[dreg:$0xa] =	wrdreg s16  }
0x9: {  	s22 =	simm.s32 $0x4200;
	s23 =	simm.s32 $0x4A00;
	[dreg:$0xb] =	wrdreg s17  }
0xa: {  	s24 =	simm.s32 $0x5200;
	s7 =	simm.s32 $0x80;
	[dreg:$0xc] =	wrdreg s18  }
0xb: {  	s25 =	simm.s32 $0x5A00;
	s8 =	simm.s32 $0x3;
	[dreg:$0xd] =	wrdreg s20  }
0xc: {  	s26 =	simm.s32 $0x6200;
	s9 =	simm.s32 $0x2;
	[dreg:$0xe] =	wrdreg s21  }
0xd: {  	s10 =	simm.s32 $0x1;
	s28 =	simm.s32 $0xEA00;
	[dreg:$0xf] =	wrdreg s22  }
0xe: {  	s29 =	simm.s32 $0xF200;
	s30 =	simm.s32 $0xFA00;
	[dreg:$0x10] =	wrdreg s23  }
0xf: {  	s31 =	simm.s32 $0x180;
	s3 =	sshll.u32 s1, $0x8;
	[dreg:$0x11] =	wrdreg s24  }
0x10: {  	s5 =	sshll.u32 s4, $0x7;
	s4 =	ssub.s32 $0x2, s4;
	[dreg:$0x12] =	wrdreg s25  }
0x11: {  	s3 =	sor.u32 s5, s3;
	s19 =	sshrl.u32 s4, $0x1;
	[dreg:$0x13] =	wrdreg s26  }
0x12: {  	s13 =	simm.s32 $0x7A00;
	s14 =	simm.s32 $0x8200;
	s15 =	simm.s32 $0x8A00  }
0x13: {  	s16 =	simm.s32 $0x9200;
	s17 =	simm.s32 $0x9A00;
	s18 =	simm.s32 $0xA200  }
0x14: {  	s20 =	simm.s32 $0xB200;
	s21 =	simm.s32 $0xBA00;
	s22 =	simm.s32 $0xC200  }
0x15: {  	s23 =	simm.s32 $0xCA00;
	s24 =	simm.s32 $0xD200;
	s5 =	sshll.u32 s3, $0x6  }
0x16: {  	s25 =	simm.s32 $0xDA00;
	s3 =	sshrl.u32 s3, $0x3;
	s5 =	sadd.s32 s5, s0  }
0x17: {  	s26 =	simm.s32 $0xE200;
	s3 =	sadd.s32 s3, s0;
	s5 =	sadd.s32 $0x2800, s5  }
0x18: {  	s6 =	ssub.s32 s4, s19;
	s11 =	sadd.s32 $0x42A00, s3;
	[dreg:$0x3] =	wrdreg s5  }
0x19: {  	s4 =	sadd.s32 $0x42F00, s0;
	s12 =	sadd.s32 $0x42C00, s3;
	[dreg:$0x4] =	wrdreg s11  }
0x1a: {  	v2 =	vlaneseq.u32;
	s19 =	simm.s32 $0xAA00;
	s3 =	sadd.s32 $0x82E00, s3;
	[dreg:$0x5] =	wrdreg s12  }
0x1b: {  	vm0 =	vmmov $0xffff;
	v1 =	vshrl.u32 v2, $0x3;
	[dreg:$0x6] =	wrdreg s3;
	s3 =	sadd.s32 $0x42E00, s0;
	s5 =	smax.u32 s6, $0x1  }
0x1c: {  	v0 =	vand.u32 $0x7, v2;
	v2 =	vor.u32 $0x8, v2;
	v1 =	vmul.u32 $0x8, v1;
	s6 =	simm.s32 $0x200;
	s12 =	simm.s32 $0x7200;
	s0 =	simm.s32 $0x4  }
.LBB2_1:
0x1d: {  	s1 =	rddreg [dreg:$0x3]  }
0x1e: {  	[tilespmem:s6], [sflag:$0x1] =	stream.linear.gather [hbm4b:s1+s2], $0x10000, $0x38;
	[tilespmem:$0x10200] =	vst v63  }
0x1f: {  	s11 =	rddreg [dreg:$0x4]  }
0x20: {  	[tilespmem:s2], [sflag:$0x3] =	stream.linear.gather [hbm4b:s11+s2], $0x80, $0x38;
	[tilespmem:$0x10200] =	vst v63  }
0x21: {  	s1 =	rddreg [dreg:$0x5]  }
0x22: {  	[tilespmem:s7], [sflag:$0x2] =	stream.linear.gather [hbm4b:s1+s2], $0x80, $0x38;
	[tilespmem:$0x10200] =	vst v63  }
0x23: {  	_ =	swait.ge [sflag:s8], $0x80  }
0x24: {  	s1 =	rddreg [dreg:$0x2];
	[sflag:s8] =	ssyncset.done $0x0  }
0x25: {  	s11 =	rddreg [dreg:$0x7];
	[sflag:s8] =	ssyncadd.s32 $0xFFFFFF80  }
0x26: {  	[tilespmem:s11], [sflag:$0x3] =	stream.indirect.gather [hbm4b:s1+s7], $0x1, s2, s7, $0xb8;
	[tilespmem:$0x10200] =	vst v63  }
0x27: {  	_ =	swait.ge [sflag:s9], $0x80  }
0x28: {  	[sflag:s9] =	ssyncset.done $0x0  }
0x29: {  	[sflag:s9] =	ssyncadd.s32 $0xFFFFFF80  }
0x2a: {  	_ =	swait.ge [sflag:s8], $0x80  }
0x2b: {  	[sflag:s8] =	ssyncset.done $0x0  }
0x2c: {  	[sflag:s8] =	ssyncadd.s32 $0xFFFFFF80  }
0x2d: {  	v3 =	vld [tilespmem:$0x100]  }
0x2e: {  	v4 =	vld [tilespmem:$0x80]  }
0x2f: {  	v5 =	vld [tilespmem:$0x110]  }
0x30: {  	v6 =	vld [tilespmem:$0x90]  }
0x31: {  	v7 =	vld [tilespmem:$0x120]  }
0x32: {  	v8 =	vld [tilespmem:$0xA0]  }
0x33: {  	v9 =	vld [tilespmem:$0x130]  }
0x34: {  	v10 =	vld [tilespmem:$0xB0]  }
0x35: {  	v11 =	vld [tilespmem:$0x140]  }
0x36: {  	v12 =	vld [tilespmem:$0xC0]  }
0x37: {  	v13 =	vld [tilespmem:$0x150]  }
0x38: {  	v14 =	vld [tilespmem:$0xD0]  }
0x39: {  	v15 =	vld [tilespmem:$0x160]  }
0x3a: {  	v47 =	vld [tilespmem:$0xE0];
	v5 =	vadd.s32 v5, v6  }
0x3b: {  	v49 =	vld [tilespmem:$0x170];
	v3 =	vadd.s32 v3, v4;
	v48 =	vadd.s32 v7, v8;
	[tilespmem:$0x190] =	vst v5  }
0x3c: {  	v50 =	vld [tilespmem:$0xF0];
	[tilespmem:$0x1A0] =	vst v48;
	v51 =	vshll.u32 v3, $0x2  }
0x3d: {  	v52 =	vadd.s32 v9, v10;
	[tilespmem:$0x180] =	vst v3;
	v3 =	vand.u32 $0x7, v3;
	v7 =	vand.u32 $0xFFFFFFE0, v51  }
0x3e: {  	v53 =	vadd.s32 v11, v12;
	[tilespmem:$0x1B0] =	vst v52;
	v3 =	vor.u32 v3, v7  }
0x3f: {  	v54 =	vadd.s32 v13, v14;
	[tilespmem:$0x1C0] =	vst v53;
	v55 =	vperm.xlane v3, v0  }
0x40: {  	v6 =	vadd.s32 v15, v47;
	[tilespmem:$0x1D0] =	vst v54  }
0x41: {  	v4 =	vadd.s32 v49, v50;
	[tilespmem:$0x1E0] =	vst v6;
	v56 =	vadd.s32 v1, v55  }
0x42: {  	[tilespmem:$0x1F0] =	vst v4  }
0x43: {  	_ =	swait.ge [sflag:s10], $0x10000;
	v3 =	vperm.xlane v3, v2  }
0x44: {  	[sflag:s10] =	ssyncset.done $0x0  }
0x45: {  	[sflag:s10] =	ssyncadd.s32 $0xFFFF0000;
	v3 =	vadd.s32 v1, v3  }
0x46: {  	[hbm4b:s3+s2] =	stream.indirect_vreg.scatter [tilespmem:s6], [sflag:$0x1], $0x80, v56, vm0, $0xb8;
	[tilespmem:$0x10200] =	vst v63  }
0x47: {  	s1 =	rddreg [dreg:$0x8]  }
0x48: {  	[hbm4b:s4+s2] =	stream.indirect_vreg.scatter [tilespmem:s1], [sflag:$0x1], $0x80, v56, vm0, $0xb8;
	[tilespmem:$0x10200] =	vst v63  }
0x49: {  	s11 =	rddreg [dreg:$0x9]  }
0x4a: {  	[hbm4b:s3+s2] =	stream.indirect_vreg.scatter [tilespmem:s11], [sflag:$0x1], $0x80, v3, vm0, $0xb8;
	[tilespmem:$0x10200] =	vst v63  }
0x4b: {  	s1 =	rddreg [dreg:$0xa]  }
0x4c: {  	[hbm4b:s4+s2] =	stream.indirect_vreg.scatter [tilespmem:s1], [sflag:$0x1], $0x80, v3, vm0, $0xb8;
	[tilespmem:$0x10200] =	vst v63  }
0x4d: {  	v3 =	vld [tilespmem:$0x190];
	_ =	sdelay $0x4  }
0x4e: {  	v57 =	vshll.u32 v3, $0x2  }
0x4f: {  	v3 =	vand.u32 $0x7, v3;
	v4 =	vand.u32 $0xFFFFFFE0, v57  }
0x50: {  	v3 =	vor.u32 v3, v4  }
0x51: {  	v4 =	vperm.xlane v3, v0;
	_ =	sdelay $0x1  }
0x52: {  	v4 =	vadd.s32 v1, v4;
	_ =	sdelay $0x1  }
0x53: {  	v3 =	vperm.xlane v3, v2;
	_ =	sdelay $0x1  }
0x54: {  	s1 =	rddreg [dreg:$0xb];
	v3 =	vadd.s32 v1, v3  }
0x55: {  	[hbm4b:s3+s2] =	stream.indirect_vreg.scatter [tilespmem:s1], [sflag:$0x1], $0x80, v4, vm0, $0xb8;
	[tilespmem:$0x10200] =	vst v63  }
0x56: {  	s11 =	rddreg [dreg:$0xc]  }
0x57: {  	[hbm4b:s4+s2] =	stream.indirect_vreg.scatter [tilespmem:s11], [sflag:$0x1], $0x80, v4, vm0, $0xb8;
	[tilespmem:$0x10200] =	vst v63  }
0x58: {  	s1 =	rddreg [dreg:$0xd]  }
0x59: {  	[hbm4b:s3+s2] =	stream.indirect_vreg.scatter [tilespmem:s1], [sflag:$0x1], $0x80, v3, vm0, $0xb8;
	[tilespmem:$0x10200] =	vst v63  }
0x5a: {  	s11 =	rddreg [dreg:$0xe]  }
0x5b: {  	[hbm4b:s4+s2] =	stream.indirect_vreg.scatter [tilespmem:s11], [sflag:$0x1], $0x80, v3, vm0, $0xb8;
	[tilespmem:$0x10200] =	vst v63  }
0x5c: {  	v3 =	vld [tilespmem:$0x1A0];
	_ =	sdelay $0x4  }
0x5d: {  	v58 =	vshll.u32 v3, $0x2  }
0x5e: {  	v3 =	vand.u32 $0x7, v3;
	v4 =	vand.u32 $0xFFFFFFE0, v58  }
0x5f: {  	v3 =	vor.u32 v3, v4  }
0x60: {  	v4 =	vperm.xlane v3, v0;
	_ =	sdelay $0x1  }
0x61: {  	v4 =	vadd.s32 v1, v4;
	_ =	sdelay $0x1  }
0x62: {  	v3 =	vperm.xlane v3, v2;
	_ =	sdelay $0x1  }
0x63: {  	s1 =	rddreg [dreg:$0xf];
	v3 =	vadd.s32 v1, v3  }
0x64: {  	[hbm4b:s3+s2] =	stream.indirect_vreg.scatter [tilespmem:s1], [sflag:$0x1], $0x80, v4, vm0, $0xb8;
	[tilespmem:$0x10200] =	vst v63  }
0x65: {  	s11 =	rddreg [dreg:$0x10]  }
0x66: {  	[hbm4b:s4+s2] =	stream.indirect_vreg.scatter [tilespmem:s11], [sflag:$0x1], $0x80, v4, vm0, $0xb8;
	[tilespmem:$0x10200] =	vst v63  }
0x67: {  	s1 =	rddreg [dreg:$0x11]  }
0x68: {  	[hbm4b:s3+s2] =	stream.indirect_vreg.scatter [tilespmem:s1], [sflag:$0x1], $0x80, v3, vm0, $0xb8;
	[tilespmem:$0x10200] =	vst v63  }
0x69: {  	s11 =	rddreg [dreg:$0x12]  }
0x6a: {  	[hbm4b:s4+s2] =	stream.indirect_vreg.scatter [tilespmem:s11], [sflag:$0x1], $0x80, v3, vm0, $0xb8;
	[tilespmem:$0x10200] =	vst v63  }
0x6b: {  	v3 =	vld [tilespmem:$0x1B0];
	_ =	sdelay $0x4  }
0x6c: {  	v59 =	vshll.u32 v3, $0x2  }
0x6d: {  	v3 =	vand.u32 $0x7, v3;
	v4 =	vand.u32 $0xFFFFFFE0, v59  }
0x6e: {  	v3 =	vor.u32 v3, v4  }
0x6f: {  	v4 =	vperm.xlane v3, v0;
	_ =	sdelay $0x1  }
0x70: {  	v4 =	vadd.s32 v1, v4;
	_ =	sdelay $0x1  }
0x71: {  	v3 =	vperm.xlane v3, v2;
	_ =	sdelay $0x1  }
0x72: {  	s11 =	rddreg [dreg:$0x13];
	v3 =	vadd.s32 v1, v3  }
0x73: {  	[hbm4b:s3+s2] =	stream.indirect_vreg.scatter [tilespmem:s11], [sflag:$0x1], $0x80, v4, vm0, $0xb8;
	[tilespmem:$0x10200] =	vst v63  }
0x74: {  	s11 =	simm.s32 $0x6A00  }
0x75: {  	[hbm4b:s4+s2] =	stream.indirect_vreg.scatter [tilespmem:s11], [sflag:$0x1], $0x80, v4, vm0, $0xb8;
	[tilespmem:$0x10200] =	vst v63  }
0x76: {  	_ = 	snop  }
0x77: {  	[hbm4b:s3+s2] =	stream.indirect_vreg.scatter [tilespmem:s12], [sflag:$0x1], $0x80, v3, vm0, $0xb8;
	[tilespmem:$0x10200] =	vst v63  }
0x78: {  	_ = 	snop  }
0x79: {  	[hbm4b:s4+s2] =	stream.indirect_vreg.scatter [tilespmem:s13], [sflag:$0x1], $0x80, v3, vm0, $0xb8;
	[tilespmem:$0x10200] =	vst v63  }
0x7a: {  	v3 =	vld [tilespmem:$0x1C0];
	_ =	sdelay $0x4  }
0x7b: {  	v60 =	vshll.u32 v3, $0x2  }
0x7c: {  	v3 =	vand.u32 $0x7, v3;
	v4 =	vand.u32 $0xFFFFFFE0, v60  }
0x7d: {  	v3 =	vor.u32 v3, v4  }
0x7e: {  	v4 =	vperm.xlane v3, v0;
	_ =	sdelay $0x1  }
0x7f: {  	v4 =	vadd.s32 v1, v4;
	_ =	sdelay $0x1  }
0x80: {  	v3 =	vperm.xlane v3, v2;
	_ =	sdelay $0x1  }
0x81: {  	v3 =	vadd.s32 v1, v3  }
0x82: {  	[hbm4b:s3+s2] =	stream.indirect_vreg.scatter [tilespmem:s14], [sflag:$0x1], $0x80, v4, vm0, $0xb8;
	[tilespmem:$0x10200] =	vst v63  }
0x83: {  	_ = 	snop  }
0x84: {  	[hbm4b:s4+s2] =	stream.indirect_vreg.scatter [tilespmem:s15], [sflag:$0x1], $0x80, v4, vm0, $0xb8;
	[tilespmem:$0x10200] =	vst v63  }
0x85: {  	_ = 	snop  }
0x86: {  	[hbm4b:s3+s2] =	stream.indirect_vreg.scatter [tilespmem:s16], [sflag:$0x1], $0x80, v3, vm0, $0xb8;
	[tilespmem:$0x10200] =	vst v63  }
0x87: {  	_ = 	snop  }
0x88: {  	[hbm4b:s4+s2] =	stream.indirect_vreg.scatter [tilespmem:s17], [sflag:$0x1], $0x80, v3, vm0, $0xb8;
	[tilespmem:$0x10200] =	vst v63  }
0x89: {  	v3 =	vld [tilespmem:$0x1D0];
	_ =	sdelay $0x4  }
0x8a: {  	v61 =	vshll.u32 v3, $0x2  }
0x8b: {  	v3 =	vand.u32 $0x7, v3;
	v4 =	vand.u32 $0xFFFFFFE0, v61  }
0x8c: {  	v3 =	vor.u32 v3, v4  }
0x8d: {  	v4 =	vperm.xlane v3, v0;
	_ =	sdelay $0x1  }
0x8e: {  	v4 =	vadd.s32 v1, v4;
	_ =	sdelay $0x1  }
0x8f: {  	v3 =	vperm.xlane v3, v2;
	_ =	sdelay $0x1  }
0x90: {  	v3 =	vadd.s32 v1, v3  }
0x91: {  	[hbm4b:s3+s2] =	stream.indirect_vreg.scatter [tilespmem:s18], [sflag:$0x1], $0x80, v4, vm0, $0xb8;
	[tilespmem:$0x10200] =	vst v63  }
0x92: {  	_ = 	snop  }
0x93: {  	[hbm4b:s4+s2] =	stream.indirect_vreg.scatter [tilespmem:s19], [sflag:$0x1], $0x80, v4, vm0, $0xb8;
	[tilespmem:$0x10200] =	vst v63  }
0x94: {  	_ = 	snop  }
0x95: {  	[hbm4b:s3+s2] =	stream.indirect_vreg.scatter [tilespmem:s20], [sflag:$0x1], $0x80, v3, vm0, $0xb8;
	[tilespmem:$0x10200] =	vst v63  }
0x96: {  	_ = 	snop  }
0x97: {  	[hbm4b:s4+s2] =	stream.indirect_vreg.scatter [tilespmem:s21], [sflag:$0x1], $0x80, v3, vm0, $0xb8;
	[tilespmem:$0x10200] =	vst v63  }
0x98: {  	v3 =	vld [tilespmem:$0x1E0];
	_ =	sdelay $0x4  }
0x99: {  	v62 =	vshll.u32 v3, $0x2  }
0x9a: {  	v3 =	vand.u32 $0x7, v3;
	v4 =	vand.u32 $0xFFFFFFE0, v62  }
0x9b: {  	v3 =	vor.u32 v3, v4  }
0x9c: {  	v4 =	vperm.xlane v3, v0;
	_ =	sdelay $0x1  }
0x9d: {  	v4 =	vadd.s32 v1, v4;
	_ =	sdelay $0x1  }
0x9e: {  	v3 =	vperm.xlane v3, v2;
	_ =	sdelay $0x1  }
0x9f: {  	v3 =	vadd.s32 v1, v3  }
0xa0: {  	[hbm4b:s3+s2] =	stream.indirect_vreg.scatter [tilespmem:s22], [sflag:$0x1], $0x80, v4, vm0, $0xb8;
	[tilespmem:$0x10200] =	vst v63  }
0xa1: {  	_ = 	snop  }
0xa2: {  	[hbm4b:s4+s2] =	stream.indirect_vreg.scatter [tilespmem:s23], [sflag:$0x1], $0x80, v4, vm0, $0xb8;
	[tilespmem:$0x10200] =	vst v63  }
0xa3: {  	_ = 	snop  }
0xa4: {  	[hbm4b:s3+s2] =	stream.indirect_vreg.scatter [tilespmem:s24], [sflag:$0x1], $0x80, v3, vm0, $0xb8;
	[tilespmem:$0x10200] =	vst v63  }
0xa5: {  	_ = 	snop  }
0xa6: {  	[hbm4b:s4+s2] =	stream.indirect_vreg.scatter [tilespmem:s25], [sflag:$0x1], $0x80, v3, vm0, $0xb8;
	[tilespmem:$0x10200] =	vst v63  }
0xa7: {  	v3 =	vld [tilespmem:$0x1F0];
	_ =	sdelay $0x4  }
0xa8: {  	v63 =	vshll.u32 v3, $0x2  }
0xa9: {  	v3 =	vand.u32 $0x7, v3;
	v4 =	vand.u32 $0xFFFFFFE0, v63  }
0xaa: {  	v3 =	vor.u32 v3, v4  }
0xab: {  	v4 =	vperm.xlane v3, v0;
	_ =	sdelay $0x1  }
0xac: {  	v4 =	vadd.s32 v1, v4;
	_ =	sdelay $0x1  }
0xad: {  	v3 =	vperm.xlane v3, v2;
	_ =	sdelay $0x1  }
0xae: {  	v3 =	vadd.s32 v1, v3  }
0xaf: {  	[hbm4b:s3+s2] =	stream.indirect_vreg.scatter [tilespmem:s26], [sflag:$0x1], $0x80, v4, vm0, $0xb8;
	[tilespmem:$0x10200] =	vst v63  }
0xb0: {  	_ = 	snop  }
0xb1: {  	[hbm4b:s4+s2] =	stream.indirect_vreg.scatter [tilespmem:s28], [sflag:$0x1], $0x80, v4, vm0, $0xb8;
	[tilespmem:$0x10200] =	vst v63  }
0xb2: {  	_ = 	snop  }
0xb3: {  	[hbm4b:s3+s2] =	stream.indirect_vreg.scatter [tilespmem:s29], [sflag:$0x1], $0x80, v3, vm0, $0xb8;
	[tilespmem:$0x10200] =	vst v63  }
0xb4: {  	_ = 	snop  }
0xb5: {  	[hbm4b:s4+s2] =	stream.indirect_vreg.scatter [tilespmem:s30], [sflag:$0x1], $0x80, v3, vm0, $0xb8;
	[tilespmem:$0x10200] =	vst v63  }
0xb6: {  	s11 =	rddreg [dreg:$0x6]  }
0xb7: {  	[hbm4b:s11+s2] =	stream.linear.scatter [tilespmem:s31], [sflag:$0x4], $0x80, $0x38;
	[tilespmem:$0x10200] =	vst v63  }
0xb8: {  	p0 =	sne.s32 s5, $0x1;
	_ =	swait.ge [sflag:s0], $0x80  }
.Ltmp0:
0xb9: {  	[sflag:s0] =	ssyncset.done $0x0;
	(pc) =	sbr.rel @p0 .LBB2_1-.Ltmp0, $4  }
0xba: {  	[sflag:s0] =	ssyncadd.s32 $0xFFFFFF80  }
0xbb: {  	_ =	swait.ge [sflag:s10], $0x10000  }
0xbc: {  	[sflag:s10] =	ssyncset.done $0x0  }
0xbd: {  	s5 =	sadd.s32 $0xFFFFFFFF, s5;
	[sflag:s10] =	ssyncadd.s32 $0xFFFF0000  }
0xbe: {  	_ =	sfence.sel $0x180000  }
0xbf: {  	[bflag:$0x0] =	sbarrier.arrive $0xFFFF  }
0xc0: {  	_ =	strace $0x90000047  }
0xc1: {  	s0 =	stileid.u32;
	[bflag:$0x2] =	sbarrier.arrive $0xFFFF  }
0xc2: {  	p0 =	sne.s32 s0, $0x0;
	s0 =	rddreg [dreg:$0x1]  }
0xc3: {  	s0 =	sadd.s32 @!p0 $0x100000, s0  }
0xc4: {  	[sflag:s0] =	ssyncadd.tile.s32 @!p0 $0x1;
	_ =	shalt  }
.Lfunc_end2:
_tile_overlayer_lowered:
.L_overlay_start_2:
0xc5: {  	(tag) =	ssettag $0x2  }
0xc6: {  	s0 =	rddreg [dreg:$0x0];
	s2 =	stileid.u32  }
0xc7: {  	s1 =	rddreg [dreg:$0x1];
	p0 =	sne.s32 s2, $0x0  }
0xc8: {  	s3 =	rddreg [dreg:$0x2];
	[bflag:$0x3] =	sbarrier.arrive $0xFFFF;
	s2 =	simm.s32 @!p0 $0x1C04  }
0xc9: {  	[timem:s3], [sflag:s2] =	dma.local @!p0 [hbm:s0], s1  }
0xca: {  	s0 =	simm.s32 @!p0 $0x4  }
0xcb: {  	_ =	swait.ge @!p0 [sflag:s0], s1  }
0xcc: {  	s1 =	ssub.s32 @!p0 $0x0, s1;
	[sflag:s0] =	ssyncset.done @!p0 $0x0  }
0xcd: {  	[sflag:s0] =	ssyncadd.s32 @!p0 s1  }
0xce: {  	[bflag:$0x3] =	sbarrier.arrive $0xFFFF  }
0xcf: {  	_ =	shalt  }

</sc_bundles>
